<compile_context>
chip_gen: v7x
topology: tpu7x:2x2x1
jax: 0.10.2.dev20260603
libtpu: 0.0.44.dev20260713+nightly
codegen_flags: <defaults>
</compile_context>

<pallas_src>
import functools

import jax
import jax.numpy as jnp
from jax import lax
from jax.experimental import pallas as pl
from jax.experimental.pallas import tpu as pltpu
from jax.experimental.pallas import tpu_sc as plsc

N_TOKENS = 32 * 1024
K_CODES = 8192
D = 256

BN = 256
NB = N_TOKENS // BN


def _argmin_body(z_ref, emb_ref, idx_ref, loss_ref, enorm_s, embbf_s):
    i = pl.program_id(0)
    flat = z_ref[0]

    @pl.when(i == 0)
    def _():
        emb = emb_ref[...]
        enorm_s[...] = jnp.sum(emb * emb, axis=1)[None, :]
        embbf_s[...] = emb.astype(jnp.bfloat16)

    scores2 = lax.dot_general(
        (flat * (-2.0)).astype(jnp.bfloat16), embbf_s[...],
        (((1,), (1,)), ((), ())),
        preferred_element_type=jnp.float32,
        precision=lax.Precision.DEFAULT)
    znorm = jnp.sum(flat * flat, axis=1)
    dist = (znorm[:, None] + scores2) + enorm_s[...]
    m = jnp.min(dist, axis=1)
    bidx = jnp.argmin(dist, axis=1).astype(jnp.int32)
    idx_ref[0, 0, :] = bidx

    prev = jnp.where(i == 0, 0.0, loss_ref[0, 0])
    loss_ref[0, 0] = prev + jnp.sum(m)


_argmin_call = pl.pallas_call(
    _argmin_body,
    grid=(NB,),
    in_specs=[
        pl.BlockSpec((1, BN, D), lambda i: (i, 0, 0)),
        pl.BlockSpec((K_CODES, D), lambda i: (0, 0)),
    ],
    out_specs=[
        pl.BlockSpec((1, 1, BN), lambda i: (i, 0, 0)),
        pl.BlockSpec(memory_space=pltpu.SMEM),
    ],
    out_shape=[
        jax.ShapeDtypeStruct((NB, 1, BN), jnp.int32),
        jax.ShapeDtypeStruct((1, 1), jnp.float32),
    ],
    scratch_shapes=[
        pltpu.VMEM((1, K_CODES), jnp.float32),
        pltpu.VMEM((K_CODES, D), jnp.bfloat16),
    ],
)



_NC, _NS = 2, 16
_NW = _NC * _NS
_BPW = N_TOKENS // _NW
_CH = 128


def _gather_body(table_hbm, idx_hbm, out_hbm, idx_v, rows_a, rows_b, rows_c,
                 sem_a, sem_b, sem_c):
    wid = lax.axis_index("s") * _NC + lax.axis_index("c")
    base = wid * _BPW
    pltpu.sync_copy(idx_hbm.at[pl.ds(base, _BPW)], idx_v)
    bufs = (rows_a, rows_b, rows_c)
    sems = (sem_a, sem_b, sem_c)
    copies = [None, None, None]
    nch = _BPW // _CH
    for c in range(nch):
        copies[c % 3] = pltpu.async_copy(
            table_hbm.at[idx_v.at[pl.ds(c * _CH, _CH)]],
            bufs[c % 3], sems[c % 3])
        if c > 0:
            copies[(c - 1) % 3].wait()
            pltpu.sync_copy(bufs[(c - 1) % 3],
                            out_hbm.at[pl.ds(base + (c - 1) * _CH, _CH)])
    copies[(nch - 1) % 3].wait()
    pltpu.sync_copy(bufs[(nch - 1) % 3],
                    out_hbm.at[pl.ds(base + (nch - 1) * _CH, _CH)])


@functools.lru_cache(maxsize=1)
def _make_gather_call():
    return pl.kernel(
        _gather_body,
        out_type=jax.ShapeDtypeStruct((N_TOKENS, D), jnp.float32),
        scratch_types=[
            pltpu.VMEM((_BPW,), jnp.int32),
            pltpu.VMEM((_CH, D), jnp.float32),
            pltpu.VMEM((_CH, D), jnp.float32),
            pltpu.VMEM((_CH, D), jnp.float32),
            pltpu.SemaphoreType.DMA,
            pltpu.SemaphoreType.DMA,
            pltpu.SemaphoreType.DMA,
        ],
        mesh=plsc.VectorSubcoreMesh(
            core_axis_name="c", subcore_axis_name="s",
            num_cores=_NC, num_subcores=_NS),
    )


def kernel(z, embedding):
    zb = z.reshape(NB, BN, D)
    idx3, loss_acc = _argmin_call(zb, embedding)
    idx_flat = idx3.reshape(N_TOKENS)
    quant = _make_gather_call()(embedding, idx_flat).reshape(z.shape)
    loss = loss_acc[0, 0] * (1.0 + 0.25) / (N_TOKENS * D)
    return quant, loss, idx_flat.reshape(z.shape[:-1])

# --- scband reference (transcript-rebuilt; emitter-appended) ---
"""Pipeline reference for scband-plain-vector-quantizer-19396072309112 (READ-ONLY COPY).

The authoritative reference and input builder live on the scoring server;
editing this copy changes nothing except your own understanding.
"""

import jax, jax.numpy as jnp
import numpy as np

NUM_EMBEDDINGS = 8192
EMBEDDING_DIM = 256
COMMITMENT_COST = 0.25


def setup_inputs(seed: int = 0) -> dict:
    key = jax.random.key(seed)
    k1, k2 = jax.random.split(key)
    z = jax.random.normal(k1, (32, 1024, EMBEDDING_DIM), dtype=jnp.float32)
    embedding = jax.random.normal(k2, (NUM_EMBEDDINGS, EMBEDDING_DIM), dtype=jnp.float32)
    return {"z": z, "embedding": embedding}


def reference(z, embedding):
    # Flatten inputs to [N, D]
    flat = z.reshape(-1, EMBEDDING_DIM)
    # Squared L2 distances to every codebook vector: [N, K]
    distances = (
        jnp.sum(flat ** 2, axis=1, keepdims=True)
        - 2.0 * flat @ embedding.T
        + jnp.sum(embedding ** 2, axis=1)[None, :]
    )
    encoding_indices = jnp.argmin(distances, axis=1)
    # Embedding lookup (gather)
    quantized = jnp.take(embedding, encoding_indices, axis=0).reshape(z.shape)
    # VQ losses
    e_latent_loss = jnp.mean((jax.lax.stop_gradient(quantized) - z) ** 2)
    q_latent_loss = jnp.mean((quantized - jax.lax.stop_gradient(z)) ** 2)
    loss = q_latent_loss + COMMITMENT_COST * e_latent_loss
    # Straight-through estimator
    quantized_st = z + jax.lax.stop_gradient(quantized - z)
    return quantized_st, loss, encoding_indices.reshape(z.shape[:-1])

if __name__ == "__main__":
    import jax
    _d = setup_inputs()
    print(jax.jit(kernel)(*tuple(_d.values())))

</pallas_src>

<mosaic_0001>
#map = affine_map<(d0, d1) -> (0, 0)>
#map1 = affine_map<(d0, d1) -> (0)>
module attributes {stable_mosaic.version = 14 : i64} {
  func.func @_gather_body(%arg0: i32, %arg1: i32, %arg2: memref<8192x256xf32, #tpu.memory_space<hbm>>, %arg3: memref<32768xi32, #tpu.memory_space<hbm>>, %arg4: memref<32768x256xf32, #tpu.memory_space<hbm>>, %arg5: memref<1024xi32, #tpu.memory_space<vmem>>, %arg6: memref<128x256xf32, #tpu.memory_space<vmem>>, %arg7: memref<128x256xf32, #tpu.memory_space<vmem>>, %arg8: memref<128x256xf32, #tpu.memory_space<vmem>>, %arg9: memref<!tpu.dma_semaphore, #tpu.memory_space<semaphore_mem>>, %arg10: memref<!tpu.dma_semaphore, #tpu.memory_space<semaphore_mem>>, %arg11: memref<!tpu.dma_semaphore, #tpu.memory_space<semaphore_mem>>) attributes {dimension_semantics = [#tpu.dimension_semantics<core_parallel>, #tpu.dimension_semantics<subcore_parallel>], iteration_bounds = array<i64: 2, 16>, scalar_prefetch = 0 : i64, scratch_operands = 7 : i64, tpu.core_type = #tpu.core_type<sc_vector_subcore>, window_params = [{transform_indices = #map}, {transform_indices = #map1}, {transform_indices = #map}]} {
    %mul3A = arith.constant 2 : i32
    %mul3A_0 = arith.muli %arg1, %mul3A : i32
    %add3A = arith.addi %mul3A_0, %arg0 : i32
    %mul3A_1 = arith.constant 1024 : i32
    %mul3A_2 = arith.muli %add3A, %mul3A_1 : i32
    "tpu.region"() ({
      %run_scoped3A = tpu.sem_alloc : memref<!tpu.dma_semaphore, #tpu.memory_space<semaphore_mem>>
      %dma_start3A_97 = tpu.memref_slice %arg3[%mul3A_2] : memref<32768xi32, #tpu.memory_space<hbm>> -> memref<1024xi32, #tpu.memory_space<hbm>>
      %dma_start3A_98 = tpu.memref_slice %arg3[%mul3A_2] : memref<32768xi32, #tpu.memory_space<hbm>> -> memref<1024xi32, #tpu.memory_space<hbm>>
      tpu.enqueue_dma source(%dma_start3A_98 : memref<1024xi32, #tpu.memory_space<hbm>>) target(%arg5 : memref<1024xi32, #tpu.memory_space<vmem>>) target_semaphore(%run_scoped3A : memref<!tpu.dma_semaphore, #tpu.memory_space<semaphore_mem>>)
      %dma_wait3A_99 = tpu.memref_slice %arg3[%mul3A_2] : memref<32768xi32, #tpu.memory_space<hbm>> -> memref<1024xi32, #tpu.memory_space<hbm>>
      %dma_wait3A_100 = tpu.memref_slice %arg3[%mul3A_2] : memref<32768xi32, #tpu.memory_space<hbm>> -> memref<1024xi32, #tpu.memory_space<hbm>>
      tpu.wait_dma2 semaphore(%run_scoped3A : memref<!tpu.dma_semaphore, #tpu.memory_space<semaphore_mem>>) src(%dma_wait3A_100 : memref<1024xi32, #tpu.memory_space<hbm>>) dst(%arg5 : memref<1024xi32, #tpu.memory_space<vmem>>)
      tpu.yield
    }) : () -> ()
    %dma_start3A = arith.constant 0 : i32
    %dma_start3A_3 = tpu.memref_slice %arg5[%dma_start3A] : memref<1024xi32, #tpu.memory_space<vmem>> -> memref<128xi32, #tpu.memory_space<vmem>>
    %dma_start3A_4 = arith.constant 0 : i32
    %dma_start3A_5 = arith.constant 0 : i32
    %dma_start3A_6 = tpu.memref_slice %arg2[%dma_start3A_4, %dma_start3A_5] : memref<8192x256xf32, #tpu.memory_space<hbm>> -> memref<8192x256xf32, #tpu.memory_space<hbm>>
    tpu.enqueue_indirect_dma source(%dma_start3A_6 : memref<8192x256xf32, #tpu.memory_space<hbm>>) target(%arg6 : memref<128x256xf32, #tpu.memory_space<vmem>>) offsets(%dma_start3A_3 : memref<128xi32, #tpu.memory_space<vmem>>) semaphore(%arg9 : memref<!tpu.dma_semaphore, #tpu.memory_space<semaphore_mem>>)
    %dma_start3A_7 = arith.constant 128 : i32
    %dma_start3A_8 = tpu.memref_slice %arg5[%dma_start3A_7] : memref<1024xi32, #tpu.memory_space<vmem>> -> memref<128xi32, #tpu.memory_space<vmem>>
    %dma_start3A_9 = arith.constant 0 : i32
    %dma_start3A_10 = arith.constant 0 : i32
    %dma_start3A_11 = tpu.memref_slice %arg2[%dma_start3A_9, %dma_start3A_10] : memref<8192x256xf32, #tpu.memory_space<hbm>> -> memref<8192x256xf32, #tpu.memory_space<hbm>>
    tpu.enqueue_indirect_dma source(%dma_start3A_11 : memref<8192x256xf32, #tpu.memory_space<hbm>>) target(%arg7 : memref<128x256xf32, #tpu.memory_space<vmem>>) offsets(%dma_start3A_8 : memref<128xi32, #tpu.memory_space<vmem>>) semaphore(%arg10 : memref<!tpu.dma_semaphore, #tpu.memory_space<semaphore_mem>>)
    %dma_wait3A = arith.constant 0 : i32
    %dma_wait3A_12 = tpu.memref_slice %arg5[%dma_wait3A] : memref<1024xi32, #tpu.memory_space<vmem>> -> memref<128xi32, #tpu.memory_space<vmem>>
    %dma_wait3A_13 = arith.constant 0 : i32
    %dma_wait3A_14 = arith.constant 0 : i32
    %dma_wait3A_15 = tpu.memref_slice %arg2[%dma_wait3A_13, %dma_wait3A_14] : memref<8192x256xf32, #tpu.memory_space<hbm>> -> memref<8192x256xf32, #tpu.memory_space<hbm>>
    tpu.wait_indirect_dma semaphore(%arg9 : memref<!tpu.dma_semaphore, #tpu.memory_space<semaphore_mem>>) src(%dma_wait3A_15 : memref<8192x256xf32, #tpu.memory_space<hbm>>) dst(%arg6 : memref<128x256xf32, #tpu.memory_space<vmem>>)
    %add3A_16 = arith.constant 0 : i32
    %add3A_17 = arith.addi %mul3A_2, %add3A_16 : i32
    "tpu.region"() ({
      %run_scoped3A = tpu.sem_alloc : memref<!tpu.dma_semaphore, #tpu.memory_space<semaphore_mem>>
      %dma_start3A_97 = arith.constant 0 : i32
      %dma_start3A_98 = tpu.memref_slice %arg4[%add3A_17, %dma_start3A_97] : memref<32768x256xf32, #tpu.memory_space<hbm>> -> memref<128x256xf32, #tpu.memory_space<hbm>>
      %dma_start3A_99 = arith.constant 0 : i32
      %dma_start3A_100 = tpu.memref_slice %arg4[%add3A_17, %dma_start3A_99] : memref<32768x256xf32, #tpu.memory_space<hbm>> -> memref<128x256xf32, #tpu.memory_space<hbm>>
      tpu.enqueue_dma source(%arg6 : memref<128x256xf32, #tpu.memory_space<vmem>>) target(%dma_start3A_100 : memref<128x256xf32, #tpu.memory_space<hbm>>) target_semaphore(%run_scoped3A : memref<!tpu.dma_semaphore, #tpu.memory_space<semaphore_mem>>)
      %dma_wait3A_101 = arith.constant 0 : i32
      %dma_wait3A_102 = tpu.memref_slice %arg4[%add3A_17, %dma_wait3A_101] : memref<32768x256xf32, #tpu.memory_space<hbm>> -> memref<128x256xf32, #tpu.memory_space<hbm>>
      %dma_wait3A_103 = arith.constant 0 : i32
      %dma_wait3A_104 = tpu.memref_slice %arg4[%add3A_17, %dma_wait3A_103] : memref<32768x256xf32, #tpu.memory_space<hbm>> -> memref<128x256xf32, #tpu.memory_space<hbm>>
      tpu.wait_dma2 semaphore(%run_scoped3A : memref<!tpu.dma_semaphore, #tpu.memory_space<semaphore_mem>>) src(%arg6 : memref<128x256xf32, #tpu.memory_space<vmem>>) dst(%dma_wait3A_104 : memref<128x256xf32, #tpu.memory_space<hbm>>)
      tpu.yield
    }) : () -> ()
    %dma_start3A_18 = arith.constant 256 : i32
    %dma_start3A_19 = tpu.memref_slice %arg5[%dma_start3A_18] : memref<1024xi32, #tpu.memory_space<vmem>> -> memref<128xi32, #tpu.memory_space<vmem>>
    %dma_start3A_20 = arith.constant 0 : i32
    %dma_start3A_21 = arith.constant 0 : i32
    %dma_start3A_22 = tpu.memref_slice %arg2[%dma_start3A_20, %dma_start3A_21] : memref<8192x256xf32, #tpu.memory_space<hbm>> -> memref<8192x256xf32, #tpu.memory_space<hbm>>
    tpu.enqueue_indirect_dma source(%dma_start3A_22 : memref<8192x256xf32, #tpu.memory_space<hbm>>) target(%arg8 : memref<128x256xf32, #tpu.memory_space<vmem>>) offsets(%dma_start3A_19 : memref<128xi32, #tpu.memory_space<vmem>>) semaphore(%arg11 : memref<!tpu.dma_semaphore, #tpu.memory_space<semaphore_mem>>)
    %dma_wait3A_23 = arith.constant 128 : i32
    %dma_wait3A_24 = tpu.memref_slice %arg5[%dma_wait3A_23] : memref<1024xi32, #tpu.memory_space<vmem>> -> memref<128xi32, #tpu.memory_space<vmem>>
    %dma_wait3A_25 = arith.constant 0 : i32
    %dma_wait3A_26 = arith.constant 0 : i32
    %dma_wait3A_27 = tpu.memref_slice %arg2[%dma_wait3A_25, %dma_wait3A_26] : memref<8192x256xf32, #tpu.memory_space<hbm>> -> memref<8192x256xf32, #tpu.memory_space<hbm>>
    tpu.wait_indirect_dma semaphore(%arg10 : memref<!tpu.dma_semaphore, #tpu.memory_space<semaphore_mem>>) src(%dma_wait3A_27 : memref<8192x256xf32, #tpu.memory_space<hbm>>) dst(%arg7 : memref<128x256xf32, #tpu.memory_space<vmem>>)
    %add3A_28 = arith.constant 128 : i32
    %add3A_29 = arith.addi %mul3A_2, %add3A_28 : i32
    "tpu.region"() ({
      %run_scoped3A = tpu.sem_alloc : memref<!tpu.dma_semaphore, #tpu.memory_space<semaphore_mem>>
      %dma_start3A_97 = arith.constant 0 : i32
      %dma_start3A_98 = tpu.memref_slice %arg4[%add3A_29, %dma_start3A_97] : memref<32768x256xf32, #tpu.memory_space<hbm>> -> memref<128x256xf32, #tpu.memory_space<hbm>>
      %dma_start3A_99 = arith.constant 0 : i32
      %dma_start3A_100 = tpu.memref_slice %arg4[%add3A_29, %dma_start3A_99] : memref<32768x256xf32, #tpu.memory_space<hbm>> -> memref<128x256xf32, #tpu.memory_space<hbm>>
      tpu.enqueue_dma source(%arg7 : memref<128x256xf32, #tpu.memory_space<vmem>>) target(%dma_start3A_100 : memref<128x256xf32, #tpu.memory_space<hbm>>) target_semaphore(%run_scoped3A : memref<!tpu.dma_semaphore, #tpu.memory_space<semaphore_mem>>)
      %dma_wait3A_101 = arith.constant 0 : i32
      %dma_wait3A_102 = tpu.memref_slice %arg4[%add3A_29, %dma_wait3A_101] : memref<32768x256xf32, #tpu.memory_space<hbm>> -> memref<128x256xf32, #tpu.memory_space<hbm>>
      %dma_wait3A_103 = arith.constant 0 : i32
      %dma_wait3A_104 = tpu.memref_slice %arg4[%add3A_29, %dma_wait3A_103] : memref<32768x256xf32, #tpu.memory_space<hbm>> -> memref<128x256xf32, #tpu.memory_space<hbm>>
      tpu.wait_dma2 semaphore(%run_scoped3A : memref<!tpu.dma_semaphore, #tpu.memory_space<semaphore_mem>>) src(%arg7 : memref<128x256xf32, #tpu.memory_space<vmem>>) dst(%dma_wait3A_104 : memref<128x256xf32, #tpu.memory_space<hbm>>)
      tpu.yield
    }) : () -> ()
    %dma_start3A_30 = arith.constant 384 : i32
    %dma_start3A_31 = tpu.memref_slice %arg5[%dma_start3A_30] : memref<1024xi32, #tpu.memory_space<vmem>> -> memref<128xi32, #tpu.memory_space<vmem>>
    %dma_start3A_32 = arith.constant 0 : i32
    %dma_start3A_33 = arith.constant 0 : i32
    %dma_start3A_34 = tpu.memref_slice %arg2[%dma_start3A_32, %dma_start3A_33] : memref<8192x256xf32, #tpu.memory_space<hbm>> -> memref<8192x256xf32, #tpu.memory_space<hbm>>
    tpu.enqueue_indirect_dma source(%dma_start3A_34 : memref<8192x256xf32, #tpu.memory_space<hbm>>) target(%arg6 : memref<128x256xf32, #tpu.memory_space<vmem>>) offsets(%dma_start3A_31 : memref<128xi32, #tpu.memory_space<vmem>>) semaphore(%arg9 : memref<!tpu.dma_semaphore, #tpu.memory_space<semaphore_mem>>)
    %dma_wait3A_35 = arith.constant 256 : i32
    %dma_wait3A_36 = tpu.memref_slice %arg5[%dma_wait3A_35] : memref<1024xi32, #tpu.memory_space<vmem>> -> memref<128xi32, #tpu.memory_space<vmem>>
    %dma_wait3A_37 = arith.constant 0 : i32
    %dma_wait3A_38 = arith.constant 0 : i32
    %dma_wait3A_39 = tpu.memref_slice %arg2[%dma_wait3A_37, %dma_wait3A_38] : memref<8192x256xf32, #tpu.memory_space<hbm>> -> memref<8192x256xf32, #tpu.memory_space<hbm>>
    tpu.wait_indirect_dma semaphore(%arg11 : memref<!tpu.dma_semaphore, #tpu.memory_space<semaphore_mem>>) src(%dma_wait3A_39 : memref<8192x256xf32, #tpu.memory_space<hbm>>) dst(%arg8 : memref<128x256xf32, #tpu.memory_space<vmem>>)
    %add3A_40 = arith.constant 256 : i32
    %add3A_41 = arith.addi %mul3A_2, %add3A_40 : i32
    "tpu.region"() ({
      %run_scoped3A = tpu.sem_alloc : memref<!tpu.dma_semaphore, #tpu.memory_space<semaphore_mem>>
      %dma_start3A_97 = arith.constant 0 : i32
      %dma_start3A_98 = tpu.memref_slice %arg4[%add3A_41, %dma_start3A_97] : memref<32768x256xf32, #tpu.memory_space<hbm>> -> memref<128x256xf32, #tpu.memory_space<hbm>>
      %dma_start3A_99 = arith.constant 0 : i32
      %dma_start3A_100 = tpu.memref_slice %arg4[%add3A_41, %dma_start3A_99] : memref<32768x256xf32, #tpu.memory_space<hbm>> -> memref<128x256xf32, #tpu.memory_space<hbm>>
      tpu.enqueue_dma source(%arg8 : memref<128x256xf32, #tpu.memory_space<vmem>>) target(%dma_start3A_100 : memref<128x256xf32, #tpu.memory_space<hbm>>) target_semaphore(%run_scoped3A : memref<!tpu.dma_semaphore, #tpu.memory_space<semaphore_mem>>)
      %dma_wait3A_101 = arith.constant 0 : i32
      %dma_wait3A_102 = tpu.memref_slice %arg4[%add3A_41, %dma_wait3A_101] : memref<32768x256xf32, #tpu.memory_space<hbm>> -> memref<128x256xf32, #tpu.memory_space<hbm>>
      %dma_wait3A_103 = arith.constant 0 : i32
      %dma_wait3A_104 = tpu.memref_slice %arg4[%add3A_41, %dma_wait3A_103] : memref<32768x256xf32, #tpu.memory_space<hbm>> -> memref<128x256xf32, #tpu.memory_space<hbm>>
      tpu.wait_dma2 semaphore(%run_scoped3A : memref<!tpu.dma_semaphore, #tpu.memory_space<semaphore_mem>>) src(%arg8 : memref<128x256xf32, #tpu.memory_space<vmem>>) dst(%dma_wait3A_104 : memref<128x256xf32, #tpu.memory_space<hbm>>)
      tpu.yield
    }) : () -> ()
    %dma_start3A_42 = arith.constant 512 : i32
    %dma_start3A_43 = tpu.memref_slice %arg5[%dma_start3A_42] : memref<1024xi32, #tpu.memory_space<vmem>> -> memref<128xi32, #tpu.memory_space<vmem>>
    %dma_start3A_44 = arith.constant 0 : i32
    %dma_start3A_45 = arith.constant 0 : i32
    %dma_start3A_46 = tpu.memref_slice %arg2[%dma_start3A_44, %dma_start3A_45] : memref<8192x256xf32, #tpu.memory_space<hbm>> -> memref<8192x256xf32, #tpu.memory_space<hbm>>
    tpu.enqueue_indirect_dma source(%dma_start3A_46 : memref<8192x256xf32, #tpu.memory_space<hbm>>) target(%arg7 : memref<128x256xf32, #tpu.memory_space<vmem>>) offsets(%dma_start3A_43 : memref<128xi32, #tpu.memory_space<vmem>>) semaphore(%arg10 : memref<!tpu.dma_semaphore, #tpu.memory_space<semaphore_mem>>)
    %dma_wait3A_47 = arith.constant 384 : i32
    %dma_wait3A_48 = tpu.memref_slice %arg5[%dma_wait3A_47] : memref<1024xi32, #tpu.memory_space<vmem>> -> memref<128xi32, #tpu.memory_space<vmem>>
    %dma_wait3A_49 = arith.constant 0 : i32
    %dma_wait3A_50 = arith.constant 0 : i32
    %dma_wait3A_51 = tpu.memref_slice %arg2[%dma_wait3A_49, %dma_wait3A_50] : memref<8192x256xf32, #tpu.memory_space<hbm>> -> memref<8192x256xf32, #tpu.memory_space<hbm>>
    tpu.wait_indirect_dma semaphore(%arg9 : memref<!tpu.dma_semaphore, #tpu.memory_space<semaphore_mem>>) src(%dma_wait3A_51 : memref<8192x256xf32, #tpu.memory_space<hbm>>) dst(%arg6 : memref<128x256xf32, #tpu.memory_space<vmem>>)
    %add3A_52 = arith.constant 384 : i32
    %add3A_53 = arith.addi %mul3A_2, %add3A_52 : i32
    "tpu.region"() ({
      %run_scoped3A = tpu.sem_alloc : memref<!tpu.dma_semaphore, #tpu.memory_space<semaphore_mem>>
      %dma_start3A_97 = arith.constant 0 : i32
      %dma_start3A_98 = tpu.memref_slice %arg4[%add3A_53, %dma_start3A_97] : memref<32768x256xf32, #tpu.memory_space<hbm>> -> memref<128x256xf32, #tpu.memory_space<hbm>>
      %dma_start3A_99 = arith.constant 0 : i32
      %dma_start3A_100 = tpu.memref_slice %arg4[%add3A_53, %dma_start3A_99] : memref<32768x256xf32, #tpu.memory_space<hbm>> -> memref<128x256xf32, #tpu.memory_space<hbm>>
      tpu.enqueue_dma source(%arg6 : memref<128x256xf32, #tpu.memory_space<vmem>>) target(%dma_start3A_100 : memref<128x256xf32, #tpu.memory_space<hbm>>) target_semaphore(%run_scoped3A : memref<!tpu.dma_semaphore, #tpu.memory_space<semaphore_mem>>)
      %dma_wait3A_101 = arith.constant 0 : i32
      %dma_wait3A_102 = tpu.memref_slice %arg4[%add3A_53, %dma_wait3A_101] : memref<32768x256xf32, #tpu.memory_space<hbm>> -> memref<128x256xf32, #tpu.memory_space<hbm>>
      %dma_wait3A_103 = arith.constant 0 : i32
      %dma_wait3A_104 = tpu.memref_slice %arg4[%add3A_53, %dma_wait3A_103] : memref<32768x256xf32, #tpu.memory_space<hbm>> -> memref<128x256xf32, #tpu.memory_space<hbm>>
      tpu.wait_dma2 semaphore(%run_scoped3A : memref<!tpu.dma_semaphore, #tpu.memory_space<semaphore_mem>>) src(%arg6 : memref<128x256xf32, #tpu.memory_space<vmem>>) dst(%dma_wait3A_104 : memref<128x256xf32, #tpu.memory_space<hbm>>)
      tpu.yield
    }) : () -> ()
    %dma_start3A_54 = arith.constant 640 : i32
    %dma_start3A_55 = tpu.memref_slice %arg5[%dma_start3A_54] : memref<1024xi32, #tpu.memory_space<vmem>> -> memref<128xi32, #tpu.memory_space<vmem>>
    %dma_start3A_56 = arith.constant 0 : i32
    %dma_start3A_57 = arith.constant 0 : i32
    %dma_start3A_58 = tpu.memref_slice %arg2[%dma_start3A_56, %dma_start3A_57] : memref<8192x256xf32, #tpu.memory_space<hbm>> -> memref<8192x256xf32, #tpu.memory_space<hbm>>
    tpu.enqueue_indirect_dma source(%dma_start3A_58 : memref<8192x256xf32, #tpu.memory_space<hbm>>) target(%arg8 : memref<128x256xf32, #tpu.memory_space<vmem>>) offsets(%dma_start3A_55 : memref<128xi32, #tpu.memory_space<vmem>>) semaphore(%arg11 : memref<!tpu.dma_semaphore, #tpu.memory_space<semaphore_mem>>)
    %dma_wait3A_59 = arith.constant 512 : i32
    %dma_wait3A_60 = tpu.memref_slice %arg5[%dma_wait3A_59] : memref<1024xi32, #tpu.memory_space<vmem>> -> memref<128xi32, #tpu.memory_space<vmem>>
    %dma_wait3A_61 = arith.constant 0 : i32
    %dma_wait3A_62 = arith.constant 0 : i32
    %dma_wait3A_63 = tpu.memref_slice %arg2[%dma_wait3A_61, %dma_wait3A_62] : memref<8192x256xf32, #tpu.memory_space<hbm>> -> memref<8192x256xf32, #tpu.memory_space<hbm>>
    tpu.wait_indirect_dma semaphore(%arg10 : memref<!tpu.dma_semaphore, #tpu.memory_space<semaphore_mem>>) src(%dma_wait3A_63 : memref<8192x256xf32, #tpu.memory_space<hbm>>) dst(%arg7 : memref<128x256xf32, #tpu.memory_space<vmem>>)
    %add3A_64 = arith.constant 512 : i32
    %add3A_65 = arith.addi %mul3A_2, %add3A_64 : i32
    "tpu.region"() ({
      %run_scoped3A = tpu.sem_alloc : memref<!tpu.dma_semaphore, #tpu.memory_space<semaphore_mem>>
      %dma_start3A_97 = arith.constant 0 : i32
      %dma_start3A_98 = tpu.memref_slice %arg4[%add3A_65, %dma_start3A_97] : memref<32768x256xf32, #tpu.memory_space<hbm>> -> memref<128x256xf32, #tpu.memory_space<hbm>>
      %dma_start3A_99 = arith.constant 0 : i32
      %dma_start3A_100 = tpu.memref_slice %arg4[%add3A_65, %dma_start3A_99] : memref<32768x256xf32, #tpu.memory_space<hbm>> -> memref<128x256xf32, #tpu.memory_space<hbm>>
      tpu.enqueue_dma source(%arg7 : memref<128x256xf32, #tpu.memory_space<vmem>>) target(%dma_start3A_100 : memref<128x256xf32, #tpu.memory_space<hbm>>) target_semaphore(%run_scoped3A : memref<!tpu.dma_semaphore, #tpu.memory_space<semaphore_mem>>)
      %dma_wait3A_101 = arith.constant 0 : i32
      %dma_wait3A_102 = tpu.memref_slice %arg4[%add3A_65, %dma_wait3A_101] : memref<32768x256xf32, #tpu.memory_space<hbm>> -> memref<128x256xf32, #tpu.memory_space<hbm>>
      %dma_wait3A_103 = arith.constant 0 : i32
      %dma_wait3A_104 = tpu.memref_slice %arg4[%add3A_65, %dma_wait3A_103] : memref<32768x256xf32, #tpu.memory_space<hbm>> -> memref<128x256xf32, #tpu.memory_space<hbm>>
      tpu.wait_dma2 semaphore(%run_scoped3A : memref<!tpu.dma_semaphore, #tpu.memory_space<semaphore_mem>>) src(%arg7 : memref<128x256xf32, #tpu.memory_space<vmem>>) dst(%dma_wait3A_104 : memref<128x256xf32, #tpu.memory_space<hbm>>)
      tpu.yield
    }) : () -> ()
    %dma_start3A_66 = arith.constant 768 : i32
    %dma_start3A_67 = tpu.memref_slice %arg5[%dma_start3A_66] : memref<1024xi32, #tpu.memory_space<vmem>> -> memref<128xi32, #tpu.memory_space<vmem>>
    %dma_start3A_68 = arith.constant 0 : i32
    %dma_start3A_69 = arith.constant 0 : i32
    %dma_start3A_70 = tpu.memref_slice %arg2[%dma_start3A_68, %dma_start3A_69] : memref<8192x256xf32, #tpu.memory_space<hbm>> -> memref<8192x256xf32, #tpu.memory_space<hbm>>
    tpu.enqueue_indirect_dma source(%dma_start3A_70 : memref<8192x256xf32, #tpu.memory_space<hbm>>) target(%arg6 : memref<128x256xf32, #tpu.memory_space<vmem>>) offsets(%dma_start3A_67 : memref<128xi32, #tpu.memory_space<vmem>>) semaphore(%arg9 : memref<!tpu.dma_semaphore, #tpu.memory_space<semaphore_mem>>)
    %dma_wait3A_71 = arith.constant 640 : i32
    %dma_wait3A_72 = tpu.memref_slice %arg5[%dma_wait3A_71] : memref<1024xi32, #tpu.memory_space<vmem>> -> memref<128xi32, #tpu.memory_space<vmem>>
    %dma_wait3A_73 = arith.constant 0 : i32
    %dma_wait3A_74 = arith.constant 0 : i32
    %dma_wait3A_75 = tpu.memref_slice %arg2[%dma_wait3A_73, %dma_wait3A_74] : memref<8192x256xf32, #tpu.memory_space<hbm>> -> memref<8192x256xf32, #tpu.memory_space<hbm>>
    tpu.wait_indirect_dma semaphore(%arg11 : memref<!tpu.dma_semaphore, #tpu.memory_space<semaphore_mem>>) src(%dma_wait3A_75 : memref<8192x256xf32, #tpu.memory_space<hbm>>) dst(%arg8 : memref<128x256xf32, #tpu.memory_space<vmem>>)
    %add3A_76 = arith.constant 640 : i32
    %add3A_77 = arith.addi %mul3A_2, %add3A_76 : i32
    "tpu.region"() ({
      %run_scoped3A = tpu.sem_alloc : memref<!tpu.dma_semaphore, #tpu.memory_space<semaphore_mem>>
      %dma_start3A_97 = arith.constant 0 : i32
      %dma_start3A_98 = tpu.memref_slice %arg4[%add3A_77, %dma_start3A_97] : memref<32768x256xf32, #tpu.memory_space<hbm>> -> memref<128x256xf32, #tpu.memory_space<hbm>>
      %dma_start3A_99 = arith.constant 0 : i32
      %dma_start3A_100 = tpu.memref_slice %arg4[%add3A_77, %dma_start3A_99] : memref<32768x256xf32, #tpu.memory_space<hbm>> -> memref<128x256xf32, #tpu.memory_space<hbm>>
      tpu.enqueue_dma source(%arg8 : memref<128x256xf32, #tpu.memory_space<vmem>>) target(%dma_start3A_100 : memref<128x256xf32, #tpu.memory_space<hbm>>) target_semaphore(%run_scoped3A : memref<!tpu.dma_semaphore, #tpu.memory_space<semaphore_mem>>)
      %dma_wait3A_101 = arith.constant 0 : i32
      %dma_wait3A_102 = tpu.memref_slice %arg4[%add3A_77, %dma_wait3A_101] : memref<32768x256xf32, #tpu.memory_space<hbm>> -> memref<128x256xf32, #tpu.memory_space<hbm>>
      %dma_wait3A_103 = arith.constant 0 : i32
      %dma_wait3A_104 = tpu.memref_slice %arg4[%add3A_77, %dma_wait3A_103] : memref<32768x256xf32, #tpu.memory_space<hbm>> -> memref<128x256xf32, #tpu.memory_space<hbm>>
      tpu.wait_dma2 semaphore(%run_scoped3A : memref<!tpu.dma_semaphore, #tpu.memory_space<semaphore_mem>>) src(%arg8 : memref<128x256xf32, #tpu.memory_space<vmem>>) dst(%dma_wait3A_104 : memref<128x256xf32, #tpu.memory_space<hbm>>)
      tpu.yield
    }) : () -> ()
    %dma_start3A_78 = arith.constant 896 : i32
    %dma_start3A_79 = tpu.memref_slice %arg5[%dma_start3A_78] : memref<1024xi32, #tpu.memory_space<vmem>> -> memref<128xi32, #tpu.memory_space<vmem>>
    %dma_start3A_80 = arith.constant 0 : i32
    %dma_start3A_81 = arith.constant 0 : i32
    %dma_start3A_82 = tpu.memref_slice %arg2[%dma_start3A_80, %dma_start3A_81] : memref<8192x256xf32, #tpu.memory_space<hbm>> -> memref<8192x256xf32, #tpu.memory_space<hbm>>
    tpu.enqueue_indirect_dma source(%dma_start3A_82 : memref<8192x256xf32, #tpu.memory_space<hbm>>) target(%arg7 : memref<128x256xf32, #tpu.memory_space<vmem>>) offsets(%dma_start3A_79 : memref<128xi32, #tpu.memory_space<vmem>>) semaphore(%arg10 : memref<!tpu.dma_semaphore, #tpu.memory_space<semaphore_mem>>)
    %dma_wait3A_83 = arith.constant 768 : i32
    %dma_wait3A_84 = tpu.memref_slice %arg5[%dma_wait3A_83] : memref<1024xi32, #tpu.memory_space<vmem>> -> memref<128xi32, #tpu.memory_space<vmem>>
    %dma_wait3A_85 = arith.constant 0 : i32
    %dma_wait3A_86 = arith.constant 0 : i32
    %dma_wait3A_87 = tpu.memref_slice %arg2[%dma_wait3A_85, %dma_wait3A_86] : memref<8192x256xf32, #tpu.memory_space<hbm>> -> memref<8192x256xf32, #tpu.memory_space<hbm>>
    tpu.wait_indirect_dma semaphore(%arg9 : memref<!tpu.dma_semaphore, #tpu.memory_space<semaphore_mem>>) src(%dma_wait3A_87 : memref<8192x256xf32, #tpu.memory_space<hbm>>) dst(%arg6 : memref<128x256xf32, #tpu.memory_space<vmem>>)
    %add3A_88 = arith.constant 768 : i32
    %add3A_89 = arith.addi %mul3A_2, %add3A_88 : i32
    "tpu.region"() ({
      %run_scoped3A = tpu.sem_alloc : memref<!tpu.dma_semaphore, #tpu.memory_space<semaphore_mem>>
      %dma_start3A_97 = arith.constant 0 : i32
      %dma_start3A_98 = tpu.memref_slice %arg4[%add3A_89, %dma_start3A_97] : memref<32768x256xf32, #tpu.memory_space<hbm>> -> memref<128x256xf32, #tpu.memory_space<hbm>>
      %dma_start3A_99 = arith.constant 0 : i32
      %dma_start3A_100 = tpu.memref_slice %arg4[%add3A_89, %dma_start3A_99] : memref<32768x256xf32, #tpu.memory_space<hbm>> -> memref<128x256xf32, #tpu.memory_space<hbm>>
      tpu.enqueue_dma source(%arg6 : memref<128x256xf32, #tpu.memory_space<vmem>>) target(%dma_start3A_100 : memref<128x256xf32, #tpu.memory_space<hbm>>) target_semaphore(%run_scoped3A : memref<!tpu.dma_semaphore, #tpu.memory_space<semaphore_mem>>)
      %dma_wait3A_101 = arith.constant 0 : i32
      %dma_wait3A_102 = tpu.memref_slice %arg4[%add3A_89, %dma_wait3A_101] : memref<32768x256xf32, #tpu.memory_space<hbm>> -> memref<128x256xf32, #tpu.memory_space<hbm>>
      %dma_wait3A_103 = arith.constant 0 : i32
      %dma_wait3A_104 = tpu.memref_slice %arg4[%add3A_89, %dma_wait3A_103] : memref<32768x256xf32, #tpu.memory_space<hbm>> -> memref<128x256xf32, #tpu.memory_space<hbm>>
      tpu.wait_dma2 semaphore(%run_scoped3A : memref<!tpu.dma_semaphore, #tpu.memory_space<semaphore_mem>>) src(%arg6 : memref<128x256xf32, #tpu.memory_space<vmem>>) dst(%dma_wait3A_104 : memref<128x256xf32, #tpu.memory_space<hbm>>)
      tpu.yield
    }) : () -> ()
    %dma_wait3A_90 = arith.constant 896 : i32
    %dma_wait3A_91 = tpu.memref_slice %arg5[%dma_wait3A_90] : memref<1024xi32, #tpu.memory_space<vmem>> -> memref<128xi32, #tpu.memory_space<vmem>>
    %dma_wait3A_92 = arith.constant 0 : i32
    %dma_wait3A_93 = arith.constant 0 : i32
    %dma_wait3A_94 = tpu.memref_slice %arg2[%dma_wait3A_92, %dma_wait3A_93] : memref<8192x256xf32, #tpu.memory_space<hbm>> -> memref<8192x256xf32, #tpu.memory_space<hbm>>
    tpu.wait_indirect_dma semaphore(%arg10 : memref<!tpu.dma_semaphore, #tpu.memory_space<semaphore_mem>>) src(%dma_wait3A_94 : memref<8192x256xf32, #tpu.memory_space<hbm>>) dst(%arg7 : memref<128x256xf32, #tpu.memory_space<vmem>>)
    %add3A_95 = arith.constant 896 : i32
    %add3A_96 = arith.addi %mul3A_2, %add3A_95 : i32
    "tpu.region"() ({
      %run_scoped3A = tpu.sem_alloc : memref<!tpu.dma_semaphore, #tpu.memory_space<semaphore_mem>>
      %dma_start3A_97 = arith.constant 0 : i32
      %dma_start3A_98 = tpu.memref_slice %arg4[%add3A_96, %dma_start3A_97] : memref<32768x256xf32, #tpu.memory_space<hbm>> -> memref<128x256xf32, #tpu.memory_space<hbm>>
      %dma_start3A_99 = arith.constant 0 : i32
      %dma_start3A_100 = tpu.memref_slice %arg4[%add3A_96, %dma_start3A_99] : memref<32768x256xf32, #tpu.memory_space<hbm>> -> memref<128x256xf32, #tpu.memory_space<hbm>>
      tpu.enqueue_dma source(%arg7 : memref<128x256xf32, #tpu.memory_space<vmem>>) target(%dma_start3A_100 : memref<128x256xf32, #tpu.memory_space<hbm>>) target_semaphore(%run_scoped3A : memref<!tpu.dma_semaphore, #tpu.memory_space<semaphore_mem>>)
      %dma_wait3A_101 = arith.constant 0 : i32
      %dma_wait3A_102 = tpu.memref_slice %arg4[%add3A_96, %dma_wait3A_101] : memref<32768x256xf32, #tpu.memory_space<hbm>> -> memref<128x256xf32, #tpu.memory_space<hbm>>
      %dma_wait3A_103 = arith.constant 0 : i32
      %dma_wait3A_104 = tpu.memref_slice %arg4[%add3A_96, %dma_wait3A_103] : memref<32768x256xf32, #tpu.memory_space<hbm>> -> memref<128x256xf32, #tpu.memory_space<hbm>>
      tpu.wait_dma2 semaphore(%run_scoped3A : memref<!tpu.dma_semaphore, #tpu.memory_space<semaphore_mem>>) src(%arg7 : memref<128x256xf32, #tpu.memory_space<vmem>>) dst(%dma_wait3A_104 : memref<128x256xf32, #tpu.memory_space<hbm>>)
      tpu.yield
    }) : () -> ()
    return
  }
}

module attributes {stable_mosaic.version = 14 : i64} {
  func.func @_argmin_body(%arg0: i32, %arg1: memref<1x256x256xf32, #tpu.memory_space<vmem>>, %arg2: memref<8192x256xf32, #tpu.memory_space<vmem>>, %arg3: memref<1x1x256xi32, #tpu.memory_space<vmem>>, %arg4: memref<1x1xf32, #tpu.memory_space<smem>>, %arg5: memref<1x8192xf32, #tpu.memory_space<vmem>>, %arg6: memref<8192x256xbf16, #tpu.memory_space<vmem>>) attributes {dimension_semantics = [#tpu.dimension_semantics<arbitrary>], iteration_bounds = array<i64: 128>, scalar_prefetch = 0 : i64, scratch_operands = 2 : i64, tpu.core_type = #tpu.core_type<tc>, window_params = [{transform_indices = @transform_0, window_bounds = array<i64: 1, 256, 256>}, {pipeline_mode = #tpu.pipeline_mode<synchronous>, transform_indices = @transform_1, window_bounds = array<i64: 8192, 256>}, {transform_indices = @transform_2, window_bounds = array<i64: 1, 1, 256>}, {transform_indices = @transform_3, window_bounds = array<i64: 1, 1>}]} {
    %get3A = arith.constant 0 : index
    %get3A_0 = arith.constant 0 : index
    %get3A_1 = arith.constant 0 : index
    %get3A_2 = vector.load %arg1[%get3A, %get3A_0, %get3A_1] : memref<1x256x256xf32, #tpu.memory_space<vmem>>, vector<1x256x256xf32>
    %get3A_3 = vector.shape_cast %get3A_2 : vector<1x256x256xf32> to vector<256x256xf32>
    %eq3A = arith.constant 0 : i32
    %eq3A_4 = arith.cmpi eq, %arg0, %eq3A : i32
    %convert_element_type3A = arith.extui %eq3A_4 : i1 to i32
    %cond3A = arith.constant 0 : i32
    %cond3A_5 = arith.cmpi ne, %convert_element_type3A, %cond3A : i32
    scf.if %cond3A_5 {
      %get3A_41 = arith.constant 0 : index
      %get3A_42 = arith.constant 0 : index
      %get3A_43 = vector.load %arg2[%get3A_41, %get3A_42] : memref<8192x256xf32, #tpu.memory_space<vmem>>, vector<8192x256xf32>
      %mul3A_44 = arith.mulf %get3A_43, %get3A_43 : vector<8192x256xf32>
      %reduce_sum3A_45 = arith.constant dense<0.000000e+00> : vector<8192xf32>
      %reduce_sum3A_46 = vector.multi_reduction <add>, %mul3A_44, %reduce_sum3A_45 [1] : vector<8192x256xf32> to vector<8192xf32>
      %broadcast_in_dim3A_47 = vector.shape_cast %reduce_sum3A_46 : vector<8192xf32> to vector<1x8192xf32>
      %swap3A_48 = arith.constant 0 : index
      %swap3A_49 = arith.constant 0 : index
      %swap3A_50 = vector.load %arg5[%swap3A_48, %swap3A_49] : memref<1x8192xf32, #tpu.memory_space<vmem>>, vector<1x8192xf32>
      tpu.vector_store %arg5[%swap3A_48, %swap3A_49], %broadcast_in_dim3A_47 {strides = array<i32>} : memref<1x8192xf32, #tpu.memory_space<vmem>>, vector<1x8192xf32>,
      %convert_element_type3A_51 = arith.truncf %get3A_43 : vector<8192x256xf32> to vector<8192x256xbf16>
      %swap3A_52 = arith.constant 0 : index
      %swap3A_53 = arith.constant 0 : index
      %swap3A_54 = vector.load %arg6[%swap3A_52, %swap3A_53] : memref<8192x256xbf16, #tpu.memory_space<vmem>>, vector<8192x256xbf16>
      tpu.vector_store %arg6[%swap3A_52, %swap3A_53], %convert_element_type3A_51 {strides = array<i32>} : memref<8192x256xbf16, #tpu.memory_space<vmem>>, vector<8192x256xbf16>,
    } else {
    }
    %mul3A = arith.constant -2.000000e+00 : f32
    %mul3A_6 = vector.broadcast %mul3A : f32 to vector<256x256xf32>
    %mul3A_7 = arith.mulf %get3A_3, %mul3A_6 : vector<256x256xf32>
    %convert_element_type3A_8 = arith.truncf %mul3A_7 : vector<256x256xf32> to vector<256x256xbf16>
    %get3A_9 = arith.constant 0 : index
    %get3A_10 = arith.constant 0 : index
    %get3A_11 = vector.load %arg6[%get3A_9, %get3A_10] : memref<8192x256xbf16, #tpu.memory_space<vmem>>, vector<8192x256xbf16>
    %dot_general3A = arith.constant dense<0.000000e+00> : vector<256x8192xf32>
    %dot_general3A_12 = tpu.matmul %convert_element_type3A_8, %get3A_11, %dot_general3A {dimension_numbers = #tpu.dot_dimension_numbers<[1], [1], [0], [0], [0, 0, 1, 0], [], []>, transpose_lhs_hint = false} : vector<256x256xbf16>, vector<8192x256xbf16>, vector<256x8192xf32> -> vector<256x8192xf32>
    %mul3A_13 = arith.mulf %get3A_3, %get3A_3 : vector<256x256xf32>
    %reduce_sum3A = arith.constant dense<0.000000e+00> : vector<256xf32>
    %reduce_sum3A_14 = vector.multi_reduction <add>, %mul3A_13, %reduce_sum3A [1] : vector<256x256xf32> to vector<256xf32>
    %broadcast_in_dim3A = vector.shape_cast %reduce_sum3A_14 : vector<256xf32> to vector<256x1xf32>
    %add3A = vector.broadcast %broadcast_in_dim3A : vector<256x1xf32> to vector<256x8192xf32>
    %add3A_15 = arith.addf %add3A, %dot_general3A_12 : vector<256x8192xf32>
    %get3A_16 = arith.constant 0 : index
    %get3A_17 = arith.constant 0 : index
    %get3A_18 = vector.load %arg5[%get3A_16, %get3A_17] : memref<1x8192xf32, #tpu.memory_space<vmem>>, vector<1x8192xf32>
    %add3A_19 = vector.broadcast %get3A_18 : vector<1x8192xf32> to vector<256x8192xf32>
    %add3A_20 = arith.addf %add3A_15, %add3A_19 : vector<256x8192xf32>
    %reduce_min3A = arith.constant dense<0x7F800000> : vector<256xf32>
    %reduce_min3A_21 = vector.multi_reduction <minimumf>, %add3A_20, %reduce_min3A [1] : vector<256x8192xf32> to vector<256xf32>
    %argmin3A = tpu.reduce_index %add3A_20 {axis = 1 : i32, kind = #tpu.reduction_kind<arg_min>} : vector<256x8192xf32> -> vector<256xi32>
    %swap3A = arith.constant 0 : index
    %swap3A_22 = arith.constant 0 : index
    %swap3A_23 = arith.constant 0 : index
    %swap3A_24 = vector.load %arg3[%swap3A, %swap3A_22, %swap3A_23] : memref<1x1x256xi32, #tpu.memory_space<vmem>>, vector<1x1x256xi32>
    %swap3A_25 = vector.shape_cast %swap3A_24 : vector<1x1x256xi32> to vector<256xi32>
    %swap3A_26 = vector.shape_cast %argmin3A : vector<256xi32> to vector<1x1x256xi32>
    tpu.vector_store %arg3[%swap3A, %swap3A_22, %swap3A_23], %swap3A_26 {strides = array<i32>} : memref<1x1x256xi32, #tpu.memory_space<vmem>>, vector<1x1x256xi32>,
    %eq3A_27 = arith.constant 0 : i32
    %eq3A_28 = arith.cmpi eq, %arg0, %eq3A_27 : i32
    %get3A_29 = arith.constant 0 : index
    %get3A_30 = arith.constant 0 : index
    %get3A_31 = memref.load %arg4[%get3A_29, %get3A_30] : memref<1x1xf32, #tpu.memory_space<smem>>
    %jit3A = arith.constant 0.000000e+00 : f32
    %select_n3A = arith.select %eq3A_28, %jit3A, %get3A_31 : f32
    %reduce_sum3A_32 = vector.shape_cast %reduce_min3A_21 : vector<256xf32> to vector<1x256xf32>
    %reduce_sum3A_33 = arith.constant dense<0.000000e+00> : vector<1xf32>
    %reduce_sum3A_34 = vector.multi_reduction <add>, %reduce_sum3A_32, %reduce_sum3A_33 [1] : vector<1x256xf32> to vector<1xf32>
    %reduce_sum3A_35 = vector.shape_cast %reduce_sum3A_34 : vector<1xf32> to vector<1x1xf32>
    %reduce_sum3A_36 = vector.extract %reduce_sum3A_35[0, 0] : f32 from vector<1x1xf32>
    %add3A_37 = arith.addf %select_n3A, %reduce_sum3A_36 : f32
    %swap3A_38 = arith.constant 0 : index
    %swap3A_39 = arith.constant 0 : index
    %swap3A_40 = memref.load %arg4[%swap3A_38, %swap3A_39] : memref<1x1xf32, #tpu.memory_space<smem>>
    memref.store %add3A_37, %arg4[%swap3A_38, %swap3A_39] : memref<1x1xf32, #tpu.memory_space<smem>>
    return
  }
  func.func @transform_0(%arg0: i32) -> (i32, i32, i32) {
    %c0_i32 = arith.constant 0 : i32
    %c0_i32_0 = arith.constant 0 : i32
    %c0_i32_1 = arith.constant 0 : i32
    return %arg0, %c0_i32, %c0_i32_0 : i32, i32, i32
  }
  func.func @transform_1(%arg0: i32) -> (i32, i32) {
    %c0_i32 = arith.constant 0 : i32
    %c0_i32_0 = arith.constant 0 : i32
    %c0_i32_1 = arith.constant 0 : i32
    return %c0_i32, %c0_i32_0 : i32, i32
  }
  func.func @transform_2(%arg0: i32) -> (i32, i32, i32) {
    %c0_i32 = arith.constant 0 : i32
    %c0_i32_0 = arith.constant 0 : i32
    %c0_i32_1 = arith.constant 0 : i32
    return %arg0, %c0_i32, %c0_i32_0 : i32, i32, i32
  }
  func.func @transform_3(%arg0: i32) -> (i32, i32) {
    %c0_i32 = arith.constant 0 : i32
    %c0_i32_0 = arith.constant 0 : i32
    %c0_i32_1 = arith.constant 0 : i32
    return %c0_i32, %c0_i32_0 : i32, i32
  }
}

</mosaic_0001>

<sc_bundles>
// kernel: kernel.4.cloned.1.call-start
scs
__scs_entry_jumppad:
0x0: {  	(pc) =	sbr.rel $0x88, $3  }
0x1: {  	(tag) =	ssettag $0x0;
	lr =	simm.s32 $0x1  }
0x2: {  	[smem:$0x3F9F] =	sst lr;
	_ =	strace $0xD0000000  }
0x3: {  	_ = 	snop  }
0x4: {  	_ = 	snop  }
0x5: {  	_ = 	snop  }
0x6: {  	_ = 	snop  }
0x7: {  	_ = 	snop  }
__scs_overlays_trampoline_lowered:
0x8: {  	[smem:$0x3FAE] =	sst s0  }
0x9: {  	[smem:$0x3FAF] =	sst s1  }
0xa: {  	[smem:$0x3FB0] =	sst s2  }
0xb: {  	[smem:$0x3FB1] =	sst s3  }
0xc: {  	[smem:$0x3FB2] =	sst s4  }
0xd: {  	[smem:$0x3FB3] =	sst s5  }
0xe: {  	[smem:$0x3FB4] =	sst s6  }
0xf: {  	[smem:$0x3FB5] =	sst s7  }
0x10: {  	[smem:$0x3FB6] =	sst s8  }
0x11: {  	[smem:$0x3FB7] =	sst s9;
	s0 =	simm.s32 @!p0 $0x0  }
0x12: {  	s1 =	sld [smem:$0x3F9D];
	s0 =	simm.s32 @p0 $0x1  }
0x13: {  	[smem:$0x3FB8] =	sst s0;
	s0 =	simm.s32 @!p1 $0x0  }
0x14: {  	s2 =	sld [smem:$0x3F9C];
	s0 =	simm.s32 @p1 $0x1  }
0x15: {  	[smem:$0x3FB9] =	sst s0;
	s0 =	simm.s32 @!p2 $0x0  }
0x16: {  	s3 =	sld [smem:$0x3FDB];
	s0 =	simm.s32 @p2 $0x1  }
0x17: {  	s4 =	simm.s32 $0x1BF5;
	[smem:$0x3FBB] =	sst s0  }
0x18: {  	s0 =	sld [smem:$0x3F9E];
	_ =	swait.ge [sflag:s4], $0x0  }
0x19: {  	s7 =	sld [smem:$0x3F9F]  }
0x1a: {  	s8 =	sadd.s32 $0xFFFFE003, lr  }
0x1b: {  	s9 =	sadd.s32 $0xFFFFFEF7, lr;
	s5 =	simm.s32 $0xFFFFFFFF;
	p2 =	slt.u32 s8, $0xFFFFF086  }
0x1c: {  	p1 =	slt.u32 s9, $0xF7A;
	s5 =	simm.s32 @!p2 $0x0  }
0x1d: {  	s5 =	simm.s32 @p1 $0x1;
	p0 =	seq.s32 s7, s2  }
0x1e: {  	s7 =	smul.u32 @!p0 $0xF7A, s2;
	p2 =	seq.s32 @!p0 s5, $0x0  }
0x1f: {  	s9 =	smul.u32 $0xF7A, s1;
	s8 =	simm.s32 @!p0 $0x1BF5;
	p2 =	por !p2, p0  }
0x20: {  	[sflag:s8] =	ssyncset.s32 @!p0 $0xFFFFF086;
	s6 =	sadd.s32 @!p0 s3, s7;
	s7 =	simm.s32 @!p0 $0x108  }
0x21: {  	s3 =	sadd.s32 s3, s9;
	s6 =	sadd.s32 @!p0 $0x88, s6;
	s7 =	simm.s32 @p2 $0x1082  }
0x22: {  	[simem:s7], [sflag:s8] =	dma.local @!p0 [hbm:s6], $0xF7A  }
0x23: {  	s9 =	sor.u32 $0xD0000000, s2;
	s6 =	simm.s32 $0x108;
	_ =	swait.ge @!p0 [sflag:s8], $0x0  }
0x24: {  	s3 =	sadd.s32 $0x88, s3;
	s6 =	simm.s32 @!p1 $0x1082;
	[sflag:s4] =	ssyncset.s32 $0xFFFFF086  }
0x25: {  	[simem:s6], [sflag:s4] =	dma.local [hbm:s3], $0xF7A  }
0x26: {  	[smem:$0x3F9F] =	sst s1;
	(tag) =	ssettag s2;
	_ =	strace s9  }
0x27: {  	s1 =	sld [smem:$0x3FAF]  }
0x28: {  	s2 =	sld [smem:$0x3FB0]  }
0x29: {  	s4 =	sld [smem:$0x3FB2]  }
0x2a: {  	p0 =	seq.s32 s5, $0x0;
	s5 =	sld [smem:$0x3FB3]  }
0x2b: {  	s6 =	sld [smem:$0x3FB4]  }
0x2c: {  	s7 =	sld [smem:$0x3FB5]  }
0x2d: {  	s3 =	simm.s32 $0x108;
	s8 =	sld [smem:$0x3FB6]  }
0x2e: {  	s3 =	simm.s32 @!p0 $0x1082;
	s9 =	sld [smem:$0x3FB7]  }
0x2f: {  	lr =	sadd.s32 s0, s3;
	s0 =	sld [smem:$0x3FAE]  }
0x30: {  	s3 =	sld [smem:$0x3FB1]  }
0x31: {  	[smem:$0x3FBA] =	sst s10  }
0x32: {  	s10 =	sld [smem:$0x3FB8];
	_ =	sdelay $0x3  }
0x33: {  	p0 =	seq.s32 s10, $0x1;
	s10 =	sld [smem:$0x3FBA];
	_ =	sdelay $0x3  }
0x34: {  	[smem:$0x3FBA] =	sst s10  }
0x35: {  	s10 =	sld [smem:$0x3FB9];
	_ =	sdelay $0x3  }
0x36: {  	p1 =	seq.s32 s10, $0x1;
	s10 =	sld [smem:$0x3FBA];
	_ =	sdelay $0x3  }
0x37: {  	[smem:$0x3FBA] =	sst s10  }
0x38: {  	s10 =	sld [smem:$0x3FBB]  }
0x39: {  	_ = 	snop;
	(pc) =	sbr.ind lr, $3  }
0x3a: {  	_ = 	snop  }
0x3b: {  	_ = 	snop  }
0x3c: {  	p2 =	seq.s32 s10, $0x1;
	s10 =	sld [smem:$0x3FBA]  }
0x3d: {  	_ =	shalt  }
0x3e: {  	_ =	shalt  }
0x3f: {  	_ =	shalt  }
0x40: {  	_ =	shalt  }
0x41: {  	_ =	shalt  }
0x42: {  	_ =	shalt  }
0x43: {  	_ =	shalt  }
0x44: {  	_ =	shalt  }
0x45: {  	_ =	shalt  }
0x46: {  	_ =	shalt  }
0x47: {  	_ =	shalt  }
0x48: {  	_ =	shalt  }
0x49: {  	_ =	shalt  }
0x4a: {  	_ =	shalt  }
0x4b: {  	_ =	shalt  }
0x4c: {  	_ =	shalt  }
0x4d: {  	_ =	shalt  }
0x4e: {  	_ =	shalt  }
0x4f: {  	_ =	shalt  }
0x50: {  	_ =	shalt  }
0x51: {  	_ =	shalt  }
0x52: {  	_ =	shalt  }
0x53: {  	_ =	shalt  }
0x54: {  	_ =	shalt  }
0x55: {  	_ =	shalt  }
0x56: {  	_ =	shalt  }
0x57: {  	_ =	shalt  }
0x58: {  	_ =	shalt  }
0x59: {  	_ =	shalt  }
0x5a: {  	_ =	shalt  }
0x5b: {  	_ =	shalt  }
0x5c: {  	_ =	shalt  }
0x5d: {  	_ =	shalt  }
0x5e: {  	_ =	shalt  }
0x5f: {  	_ =	shalt  }
0x60: {  	_ =	shalt  }
0x61: {  	_ =	shalt  }
0x62: {  	_ =	shalt  }
0x63: {  	_ =	shalt  }
0x64: {  	_ =	shalt  }
0x65: {  	_ =	shalt  }
0x66: {  	_ =	shalt  }
0x67: {  	_ =	shalt  }
0x68: {  	_ =	shalt  }
0x69: {  	_ =	shalt  }
0x6a: {  	_ =	shalt  }
0x6b: {  	_ =	shalt  }
0x6c: {  	_ =	shalt  }
0x6d: {  	_ =	shalt  }
0x6e: {  	_ =	shalt  }
0x6f: {  	_ =	shalt  }
0x70: {  	_ =	shalt  }
0x71: {  	_ =	shalt  }
0x72: {  	_ =	shalt  }
0x73: {  	_ =	shalt  }
0x74: {  	_ =	shalt  }
0x75: {  	_ =	shalt  }
0x76: {  	_ =	shalt  }
0x77: {  	_ =	shalt  }
0x78: {  	_ =	shalt  }
0x79: {  	_ =	shalt  }
0x7a: {  	_ =	shalt  }
0x7b: {  	_ =	shalt  }
0x7c: {  	_ =	shalt  }
0x7d: {  	_ =	shalt  }
0x7e: {  	_ =	shalt  }
0x7f: {  	_ =	shalt  }
0x80: {  	_ =	shalt  }
0x81: {  	_ =	shalt  }
0x82: {  	_ =	shalt  }
0x83: {  	_ =	shalt  }
0x84: {  	_ =	shalt  }
0x85: {  	_ =	shalt  }
0x86: {  	_ =	shalt  }
0x87: {  	_ =	shalt  }
.Lfunc_end0:
.L_simem_size_0:
called_computation_lowered:
.L_overlay_start_0:
0x88: {  	s2 =	sld [smem:$0x3FD9]  }
0x89: {  	s3 =	sld [smem:$0x3FFE];
	_ =	sdelay $0x1  }
0x8a: {  	s1 =	srdreg.scid  }
0x8b: {  	s0 =	sand.u32 $0x1, s1  }
0x8c: {  	s14 =	sshll.u32 s0, $0xA;
	s2 =	sadd.s32 s3, s2  }
0x8d: {  	s2 =	sadd.s32 s2, s14  }
0x8e: {  	[smem:$0x3FC6] =	sst s2  }
0x8f: {  	_ = 	snop  }
0x90: {  	s2 =	sld [smem:$0x3FD0];
	_ =	sdelay $0x2  }
0x91: {  	s4 =	simm.s32 $0xA;
	s5 =	simm.s32 $0x10;
	s15 =	sld [smem:$0x3FC8]  }
0x92: {  	[smem:s5], [sflag:s4] =	dma.local [hbm:s2], $0x1  }
0x93: {  	_ =	swait.eq [sflag:s4], $0x1  }
0x94: {  	[sflag:s4] =	ssyncset.done $0x0  }
0x95: {  	[sflag:s4] =	ssyncadd.s32 $0xFFFFFFFF  }
0x96: {  	s16 =	sld [smem:$0x10];
	(tm) =	ssettm $0x1  }
0x97: {  	s17 =	sld [smem:$0x3FFB];
	_ =	sdelay $0x3  }
0x98: {  	_ =	strace s17  }
0x99: {  	s4 =	sld [smem:$0x3FFC];
	_ =	sdelay $0x3  }
0x9a: {  	_ =	strace s4  }
0x9b: {  	s4 =	sld [smem:$0x3FFD];
	_ =	sdelay $0x3  }
0x9c: {  	_ =	strace s4  }
0x9d: {  	_ =	strace $0x8FFFFFFF  }
0x9e: {  	s18 =	sld [smem:$0x3FDB];
	_ =	sdelay $0x1  }
0x9f: {  	s19 =	simm.s32 $_scs_section_size  }
0xa0: {  	s6 =	simm.s32 $_size__tile_overlayer_lowered;
	s7 =	simm.s32 $_tile_overlayer_lowered  }
0xa1: {  	s22 =	simm.s32 $0x1BFF;
	s21 =	sshll.u32 s7, $0x1;
	s4 =	sadd.s32 s19, s18  }
0xa2: {  	s8 =	simm.s32 $0x0;
	s20 =	sshll.u32 s6, $0x1;
	s6 =	sadd.s32 s21, s4  }
0xa3: {  	[timem:s8], [sflag:s22] =	dma.local [hbm:s6], s20  }
0xa4: {  	_ =	swait.ge [sflag:s22], s20  }
0xa5: {  	s5 =	ssub.s32 $0x0, s20;
	[sflag:s22] =	ssyncset.done $0x0  }
0xa6: {  	[sflag:s22] =	ssyncadd.s32 s5;
	_ =	sdelay $0x1  }
0xa7: {  	s23 =	simm.s32 $0x1B8B  }
0xa8: {  	_ =	swait.ge [sflag:s23], $0x1  }
0xa9: {  	[sflag:s23] =	ssyncset.done $0x0  }
0xaa: {  	s25 =	simm.s32 $0x1B8E;
	s24 =	sld [smem:$0x3FFE];
	[sflag:s23] =	ssyncadd.s32 $0xFFFFFFFF  }
0xab: {  	s26 =	simm.s32 $execute0_lowered;
	[smem:$0x3FD2] =	sst s25  }
0xac: {  	s6 =	sshll.u32 s26, $0x1;
	_ =	strace $0x80000046;
	[dreg:$0x1] =	wrdreg $0xFFFFFFFF  }
0xad: {  	s28 =	simm.s32 $_size_execute0_lowered;
	s4 =	sadd.s32 s4, s6;
	[dreg:$0x0] =	wrdreg $0x0  }
0xae: {  	s6 =	sshll.u32 s28, $0x1;
	[dreg:$0x2] =	wrdreg s4  }
0xaf: {  	[dreg:$0x3] =	wrdreg s6  }
0xb0: {  	[dreg:$0x4] =	wrdreg $0xC0  }
0xb1: {  	_ =	task [dreg:s8], $0x5FFFF  }
0xb2: {  	[dreg:$0x1] =	wrdreg $0xFFFFFFFF  }
0xb3: {  	[dreg:$0x0] =	wrdreg $0x60  }
0xb4: {  	[dreg:$0x2] =	wrdreg s15  }
0xb5: {  	[dreg:$0x3] =	wrdreg s24  }
0xb6: {  	[dreg:$0x4] =	wrdreg s16  }
0xb7: {  	[dreg:$0x5] =	wrdreg $0x9  }
0xb8: {  	_ =	task.clear_ibuf [dreg:s8], $0x6FFFF;
	_ =	strace $0x90000046  }
0xb9: {  	s29 =	simm.s32 $0x9;
	_ =	strace $0x80000048  }
0xba: {  	_ =	swait.ge [sflag:s29], $0x1  }
0xbb: {  	[sflag:s29] =	ssyncadd.s32 $0xFFFFFFFF  }
0xbc: {  	_ =	strace $0x90000048  }
0xbd: {  	_ =	sfence  }
0xbe: {  	s30 =	sld [smem:$0x0];
	_ =	sdelay $0x2  }
0xbf: {  	s31 =	sshll.u32 s1, $0xD;
	s1 =	sshrl.u32 s1, $0x2  }
0xc0: {  	s3 =	sand.u32 $0x4000, s31;
	s1 =	sadd.s32 s1, s30  }
0xc1: {  	s0 =	sor.u32 s3, s0;
	s1 =	sshll.u32 s1, $0x11  }
0xc2: {  	s0 =	sor.u32 s1, s0  }
0xc3: {  	s0 =	sadd.s32 $0x8F2B, s0  }
0xc4: {  	[sflag:s0] =	ssyncadd.remote.s32 $0x1  }
0xc5: {  	_ =	sfence.sel $0xFFFF  }
0xc6: {  	[dreg:$0x0] =	wrdreg $0xFFFFFFFF;
	(pc) =	sbr.abs _section_cstart, $3  }
0xc7: {  	[dreg:$0x1] =	wrdreg $0xFFFFFFFF  }
0xc8: {  	_ =	task.clear_ibuf [dreg:s8], $0x2FFFF;
	_ =	strace $0x9FFFFFFF  }
0xc9: {  	(tm) =	ssettm $0x7FFFFFFF  }
tec
execute0_lowered:
.L_overlay_start_1:
0x0: {  	(tag) =	ssettag $0x1  }
0x1: {  	s1 =	rddreg [dreg:$0x0]  }
0x2: {  	s0 =	srdreg.scid;
	s2 =	rddreg [dreg:$0x1]  }
0x3: {  	s3 =	stileid.u32;
	s5 =	rddreg [dreg:$0x2]  }
0x4: {  	s13 =	simm.s32 $0x1;
	s15 =	simm.s32 $0x2;
	s16 =	simm.s32 $0x3  }
0x5: {  	s28 =	simm.s32 $0x4C00;
	s29 =	simm.s32 $0x5400;
	s30 =	simm.s32 $0x5C00  }
0x6: {  	s31 =	simm.s32 $0x6400;
	s7 =	simm.s32 $0x11C00;
	s8 =	simm.s32 $0x12400  }
0x7: {  	s9 =	simm.s32 $0x12C00;
	s10 =	simm.s32 $0x13400;
	s0 =	sand.u32 $0x1, s0  }
0x8: {  	s11 =	simm.s32 $0x13C00;
	s3 =	sshll.u32 s3, $0xB;
	s4 =	sshll.u32 s0, $0xA  }
0x9: {  	s12 =	simm.s32 $0x14400;
	s14 =	simm.s32 $0x14C00;
	s4 =	sor.u32 s4, s3  }
0xa: {  	s3 =	simm.s32 $0x0;
	s6 =	sshrl.u32 s4, $0x3;
	s4 =	sshll.u32 s4, $0x5  }
0xb: {  	[smem:$0x7FF] =	sst s3;
	s2 =	sadd.s32 s6, s2;
	s5 =	sadd.s32 s5, s4  }
0xc: {  	_ =	strace $0x80000047;
	s2 =	sadd.s32 $0x800, s2;
	[dreg:$0xc] =	wrdreg s5  }
0xd: {  	s18 =	simm.s32 $0x15400;
	s19 =	sadd.s32 $0x1000, s5;
	[dreg:$0x4] =	wrdreg s2  }
0xe: {  	s0 =	ssub.s32 $0x2, s0;
	s20 =	sadd.s32 $0x2000, s5;
	[dreg:$0x5] =	wrdreg s19  }
0xf: {  	s24 =	sshrl.u32 s0, $0x1;
	s21 =	sadd.s32 $0x3000, s5;
	[dreg:$0x6] =	wrdreg s20  }
0x10: {  	s0 =	ssub.s32 s0, s24;
	s22 =	sadd.s32 $0x4000, s5;
	[dreg:$0x7] =	wrdreg s21  }
0x11: {  	s24 =	simm.s32 $0x17C00;
	s23 =	sadd.s32 $0x5000, s5;
	[dreg:$0x8] =	wrdreg s22  }
0x12: {  	s6 =	simm.s32 $0x4;
	s25 =	sadd.s32 $0x6000, s5;
	[dreg:$0x9] =	wrdreg s23  }
0x13: {  	s4 =	simm.s32 $0x11400;
	s26 =	sadd.s32 $0x7000, s5;
	[dreg:$0xa] =	wrdreg s25  }
0x14: {  	v2 =	vlaneseq.u32;
	s5 =	smax.u32 s0, $0x1;
	[dreg:$0xb] =	wrdreg s26;
	s25 =	simm.s32 $0x400  }
0x15: {  	vm0 =	vmmov $0xffff;
	v1 =	vshrl.u32 v2, $0x3;
	s23 =	simm.s32 $0x8400;
	s26 =	simm.s32 $0x4400;
	s19 =	simm.s32 $0x15C00  }
0x16: {  	v0 =	vand.u32 $0x7, v2;
	v2 =	vor.u32 $0x8, v2;
	v1 =	vmul.u32 $0x8, v1;
	s20 =	simm.s32 $0x16400;
	s21 =	simm.s32 $0x16C00;
	s22 =	simm.s32 $0x17400  }
.LBB2_1:
0x17: {  	s17 =	rddreg [dreg:$0x4]  }
0x18: {  	[tilespmem:s3], [sflag:$0x4] =	stream.linear.gather [hbm4b:s17+s3], $0x400, $0x38;
	[tilespmem:$0x18400] =	vst v63  }
0x19: {  	_ =	swait.ge [sflag:s6], $0x400  }
0x1a: {  	[sflag:s6] =	ssyncset.done $0x0  }
0x1b: {  	[sflag:s6] =	ssyncadd.s32 $0xFFFFFC00  }
0x1c: {  	v3 =	vld [tilespmem:$0x0];
	_ =	sdelay $0x4  }
0x1d: {  	v4 =	vshll.u32 v3, $0x1  }
0x1e: {  	v3 =	vand.u32 $0x7, v3;
	v4 =	vand.u32 $0xFFFFFFF0, v4  }
0x1f: {  	v3 =	vor.u32 v3, v4  }
0x20: {  	v4 =	vperm.xlane v3, v0;
	_ =	sdelay $0x1  }
0x21: {  	v3 =	vperm.xlane v3, v2;
	v4 =	vadd.s32 v1, v4;
	_ =	sdelay $0x1  }
0x22: {  	v3 =	vadd.s32 v1, v3;
	_ =	sdelay $0x2  }
0x23: {  	[tilespmem:s25], [sflag:$0x1] =	stream.indirect_vreg.gather [hbm4b:s1+s3], $0x80, v4, vm0, $0xb8;
	[tilespmem:$0x18400] =	vst v63  }
0x24: {  	s0 =	simm.s32 $0xC00  }
0x25: {  	[tilespmem:s0], [sflag:$0x1] =	stream.indirect_vreg.gather [hbm4b:s1+s3], $0x80, v3, vm0, $0xb8;
	[tilespmem:$0x18400] =	vst v63  }
0x26: {  	v3 =	vld [tilespmem:$0x10];
	_ =	sdelay $0x4  }
0x27: {  	v57 =	vshll.u32 v3, $0x1  }
0x28: {  	v3 =	vand.u32 $0x7, v3;
	v4 =	vand.u32 $0xFFFFFFF0, v57  }
0x29: {  	v3 =	vor.u32 v3, v4  }
0x2a: {  	v4 =	vperm.xlane v3, v0;
	_ =	sdelay $0x1  }
0x2b: {  	v3 =	vperm.xlane v3, v2;
	v4 =	vadd.s32 v1, v4;
	_ =	sdelay $0x1  }
0x2c: {  	v3 =	vadd.s32 v1, v3;
	_ =	sdelay $0x1  }
0x2d: {  	s2 =	simm.s32 $0x1400  }
0x2e: {  	[tilespmem:s2], [sflag:$0x1] =	stream.indirect_vreg.gather [hbm4b:s1+s3], $0x80, v4, vm0, $0xb8;
	[tilespmem:$0x18400] =	vst v63  }
0x2f: {  	s17 =	simm.s32 $0x1C00  }
0x30: {  	[tilespmem:s17], [sflag:$0x1] =	stream.indirect_vreg.gather [hbm4b:s1+s3], $0x80, v3, vm0, $0xb8;
	[tilespmem:$0x18400] =	vst v63  }
0x31: {  	v3 =	vld [tilespmem:$0x20];
	_ =	sdelay $0x4  }
0x32: {  	v58 =	vshll.u32 v3, $0x1  }
0x33: {  	v3 =	vand.u32 $0x7, v3;
	v4 =	vand.u32 $0xFFFFFFF0, v58  }
0x34: {  	v3 =	vor.u32 v3, v4  }
0x35: {  	v4 =	vperm.xlane v3, v0;
	_ =	sdelay $0x1  }
0x36: {  	v3 =	vperm.xlane v3, v2;
	v4 =	vadd.s32 v1, v4;
	_ =	sdelay $0x1  }
0x37: {  	v3 =	vadd.s32 v1, v3;
	_ =	sdelay $0x1  }
0x38: {  	s2 =	simm.s32 $0x2400  }
0x39: {  	[tilespmem:s2], [sflag:$0x1] =	stream.indirect_vreg.gather [hbm4b:s1+s3], $0x80, v4, vm0, $0xb8;
	[tilespmem:$0x18400] =	vst v63  }
0x3a: {  	s17 =	simm.s32 $0x2C00  }
0x3b: {  	[tilespmem:s17], [sflag:$0x1] =	stream.indirect_vreg.gather [hbm4b:s1+s3], $0x80, v3, vm0, $0xb8;
	[tilespmem:$0x18400] =	vst v63  }
0x3c: {  	v3 =	vld [tilespmem:$0x30];
	_ =	sdelay $0x4  }
0x3d: {  	v59 =	vshll.u32 v3, $0x1  }
0x3e: {  	v3 =	vand.u32 $0x7, v3;
	v4 =	vand.u32 $0xFFFFFFF0, v59  }
0x3f: {  	v3 =	vor.u32 v3, v4  }
0x40: {  	v4 =	vperm.xlane v3, v0;
	_ =	sdelay $0x1  }
0x41: {  	v3 =	vperm.xlane v3, v2;
	v4 =	vadd.s32 v1, v4;
	_ =	sdelay $0x1  }
0x42: {  	v3 =	vadd.s32 v1, v3;
	_ =	sdelay $0x1  }
0x43: {  	s2 =	simm.s32 $0x3400  }
0x44: {  	[tilespmem:s2], [sflag:$0x1] =	stream.indirect_vreg.gather [hbm4b:s1+s3], $0x80, v4, vm0, $0xb8;
	[tilespmem:$0x18400] =	vst v63  }
0x45: {  	s17 =	simm.s32 $0x3C00  }
0x46: {  	[tilespmem:s17], [sflag:$0x1] =	stream.indirect_vreg.gather [hbm4b:s1+s3], $0x80, v3, vm0, $0xb8;
	[tilespmem:$0x18400] =	vst v63  }
0x47: {  	v3 =	vld [tilespmem:$0x40];
	_ =	sdelay $0x4  }
0x48: {  	v60 =	vshll.u32 v3, $0x1  }
0x49: {  	v3 =	vand.u32 $0x7, v3;
	v4 =	vand.u32 $0xFFFFFFF0, v60  }
0x4a: {  	v3 =	vor.u32 v3, v4  }
0x4b: {  	v4 =	vperm.xlane v3, v0;
	_ =	sdelay $0x1  }
0x4c: {  	v3 =	vperm.xlane v3, v2;
	v4 =	vadd.s32 v1, v4;
	_ =	sdelay $0x1  }
0x4d: {  	v3 =	vadd.s32 v1, v3;
	_ =	sdelay $0x2  }
0x4e: {  	[tilespmem:s26], [sflag:$0x1] =	stream.indirect_vreg.gather [hbm4b:s1+s3], $0x80, v4, vm0, $0xb8;
	[tilespmem:$0x18400] =	vst v63  }
0x4f: {  	_ = 	snop  }
0x50: {  	[tilespmem:s28], [sflag:$0x1] =	stream.indirect_vreg.gather [hbm4b:s1+s3], $0x80, v3, vm0, $0xb8;
	[tilespmem:$0x18400] =	vst v63  }
0x51: {  	v3 =	vld [tilespmem:$0x50];
	_ =	sdelay $0x4  }
0x52: {  	v61 =	vshll.u32 v3, $0x1  }
0x53: {  	v3 =	vand.u32 $0x7, v3;
	v4 =	vand.u32 $0xFFFFFFF0, v61  }
0x54: {  	v3 =	vor.u32 v3, v4  }
0x55: {  	v4 =	vperm.xlane v3, v0;
	_ =	sdelay $0x1  }
0x56: {  	v3 =	vperm.xlane v3, v2;
	v4 =	vadd.s32 v1, v4;
	_ =	sdelay $0x1  }
0x57: {  	v3 =	vadd.s32 v1, v3;
	_ =	sdelay $0x2  }
0x58: {  	[tilespmem:s29], [sflag:$0x1] =	stream.indirect_vreg.gather [hbm4b:s1+s3], $0x80, v4, vm0, $0xb8;
	[tilespmem:$0x18400] =	vst v63  }
0x59: {  	_ = 	snop  }
0x5a: {  	[tilespmem:s30], [sflag:$0x1] =	stream.indirect_vreg.gather [hbm4b:s1+s3], $0x80, v3, vm0, $0xb8;
	[tilespmem:$0x18400] =	vst v63  }
0x5b: {  	v3 =	vld [tilespmem:$0x60];
	_ =	sdelay $0x4  }
0x5c: {  	v62 =	vshll.u32 v3, $0x1  }
0x5d: {  	v3 =	vand.u32 $0x7, v3;
	v4 =	vand.u32 $0xFFFFFFF0, v62  }
0x5e: {  	v3 =	vor.u32 v3, v4  }
0x5f: {  	v4 =	vperm.xlane v3, v0;
	_ =	sdelay $0x1  }
0x60: {  	v3 =	vperm.xlane v3, v2;
	v4 =	vadd.s32 v1, v4;
	_ =	sdelay $0x1  }
0x61: {  	v3 =	vadd.s32 v1, v3;
	_ =	sdelay $0x2  }
0x62: {  	[tilespmem:s31], [sflag:$0x1] =	stream.indirect_vreg.gather [hbm4b:s1+s3], $0x80, v4, vm0, $0xb8;
	[tilespmem:$0x18400] =	vst v63  }
0x63: {  	s2 =	simm.s32 $0x6C00  }
0x64: {  	[tilespmem:s2], [sflag:$0x1] =	stream.indirect_vreg.gather [hbm4b:s1+s3], $0x80, v3, vm0, $0xb8;
	[tilespmem:$0x18400] =	vst v63  }
0x65: {  	v3 =	vld [tilespmem:$0x70];
	_ =	sdelay $0x4  }
0x66: {  	v63 =	vshll.u32 v3, $0x1  }
0x67: {  	v3 =	vand.u32 $0x7, v3;
	v4 =	vand.u32 $0xFFFFFFF0, v63  }
0x68: {  	v3 =	vor.u32 v3, v4  }
0x69: {  	v4 =	vperm.xlane v3, v0;
	_ =	sdelay $0x1  }
0x6a: {  	v3 =	vperm.xlane v3, v2;
	v4 =	vadd.s32 v1, v4;
	_ =	sdelay $0x1  }
0x6b: {  	v3 =	vadd.s32 v1, v3;
	_ =	sdelay $0x1  }
0x6c: {  	s17 =	simm.s32 $0x7400  }
0x6d: {  	[tilespmem:s17], [sflag:$0x1] =	stream.indirect_vreg.gather [hbm4b:s1+s3], $0x80, v4, vm0, $0xb8;
	[tilespmem:$0x18400] =	vst v63  }
0x6e: {  	s2 =	simm.s32 $0x7C00  }
0x6f: {  	[tilespmem:s2], [sflag:$0x1] =	stream.indirect_vreg.gather [hbm4b:s1+s3], $0x80, v3, vm0, $0xb8;
	[tilespmem:$0x18400] =	vst v63  }
0x70: {  	v3 =	vld [tilespmem:$0x80];
	_ =	sdelay $0x4  }
0x71: {  	v8 =	vshll.u32 v3, $0x1  }
0x72: {  	v3 =	vand.u32 $0x7, v3;
	v4 =	vand.u32 $0xFFFFFFF0, v8  }
0x73: {  	v3 =	vor.u32 v3, v4  }
0x74: {  	v4 =	vperm.xlane v3, v0;
	_ =	sdelay $0x1  }
0x75: {  	v3 =	vperm.xlane v3, v2;
	v4 =	vadd.s32 v1, v4;
	_ =	sdelay $0x1  }
0x76: {  	v3 =	vadd.s32 v1, v3;
	_ =	sdelay $0x2  }
0x77: {  	[tilespmem:s23], [sflag:$0x2] =	stream.indirect_vreg.gather [hbm4b:s1+s3], $0x80, v4, vm0, $0xb8;
	[tilespmem:$0x18400] =	vst v63  }
0x78: {  	s17 =	simm.s32 $0x8C00  }
0x79: {  	[tilespmem:s17], [sflag:$0x2] =	stream.indirect_vreg.gather [hbm4b:s1+s3], $0x80, v3, vm0, $0xb8;
	[tilespmem:$0x18400] =	vst v63  }
0x7a: {  	v3 =	vld [tilespmem:$0x90];
	_ =	sdelay $0x4  }
0x7b: {  	v9 =	vshll.u32 v3, $0x1  }
0x7c: {  	v3 =	vand.u32 $0x7, v3;
	v4 =	vand.u32 $0xFFFFFFF0, v9  }
0x7d: {  	v3 =	vor.u32 v3, v4  }
0x7e: {  	v4 =	vperm.xlane v3, v0;
	_ =	sdelay $0x1  }
0x7f: {  	v3 =	vperm.xlane v3, v2;
	v4 =	vadd.s32 v1, v4;
	_ =	sdelay $0x1  }
0x80: {  	v3 =	vadd.s32 v1, v3;
	_ =	sdelay $0x1  }
0x81: {  	s2 =	simm.s32 $0x9400  }
0x82: {  	[tilespmem:s2], [sflag:$0x2] =	stream.indirect_vreg.gather [hbm4b:s1+s3], $0x80, v4, vm0, $0xb8;
	[tilespmem:$0x18400] =	vst v63  }
0x83: {  	s17 =	simm.s32 $0x9C00  }
0x84: {  	[tilespmem:s17], [sflag:$0x2] =	stream.indirect_vreg.gather [hbm4b:s1+s3], $0x80, v3, vm0, $0xb8;
	[tilespmem:$0x18400] =	vst v63  }
0x85: {  	v3 =	vld [tilespmem:$0xA0];
	_ =	sdelay $0x4  }
0x86: {  	v10 =	vshll.u32 v3, $0x1  }
0x87: {  	v3 =	vand.u32 $0x7, v3;
	v4 =	vand.u32 $0xFFFFFFF0, v10  }
0x88: {  	v3 =	vor.u32 v3, v4  }
0x89: {  	v4 =	vperm.xlane v3, v0;
	_ =	sdelay $0x1  }
0x8a: {  	v3 =	vperm.xlane v3, v2;
	v4 =	vadd.s32 v1, v4;
	_ =	sdelay $0x1  }
0x8b: {  	v3 =	vadd.s32 v1, v3;
	_ =	sdelay $0x1  }
0x8c: {  	s2 =	simm.s32 $0xA400  }
0x8d: {  	[tilespmem:s2], [sflag:$0x2] =	stream.indirect_vreg.gather [hbm4b:s1+s3], $0x80, v4, vm0, $0xb8;
	[tilespmem:$0x18400] =	vst v63  }
0x8e: {  	s17 =	simm.s32 $0xAC00  }
0x8f: {  	[tilespmem:s17], [sflag:$0x2] =	stream.indirect_vreg.gather [hbm4b:s1+s3], $0x80, v3, vm0, $0xb8;
	[tilespmem:$0x18400] =	vst v63  }
0x90: {  	v3 =	vld [tilespmem:$0xB0];
	_ =	sdelay $0x4  }
0x91: {  	v11 =	vshll.u32 v3, $0x1  }
0x92: {  	v3 =	vand.u32 $0x7, v3;
	v4 =	vand.u32 $0xFFFFFFF0, v11  }
0x93: {  	v3 =	vor.u32 v3, v4  }
0x94: {  	v4 =	vperm.xlane v3, v0;
	_ =	sdelay $0x1  }
0x95: {  	v3 =	vperm.xlane v3, v2;
	v4 =	vadd.s32 v1, v4;
	_ =	sdelay $0x1  }
0x96: {  	v3 =	vadd.s32 v1, v3;
	_ =	sdelay $0x1  }
0x97: {  	s2 =	simm.s32 $0xB400  }
0x98: {  	[tilespmem:s2], [sflag:$0x2] =	stream.indirect_vreg.gather [hbm4b:s1+s3], $0x80, v4, vm0, $0xb8;
	[tilespmem:$0x18400] =	vst v63  }
0x99: {  	s17 =	simm.s32 $0xBC00  }
0x9a: {  	[tilespmem:s17], [sflag:$0x2] =	stream.indirect_vreg.gather [hbm4b:s1+s3], $0x80, v3, vm0, $0xb8;
	[tilespmem:$0x18400] =	vst v63  }
0x9b: {  	v3 =	vld [tilespmem:$0xC0];
	_ =	sdelay $0x4  }
0x9c: {  	v12 =	vshll.u32 v3, $0x1  }
0x9d: {  	v3 =	vand.u32 $0x7, v3;
	v4 =	vand.u32 $0xFFFFFFF0, v12  }
0x9e: {  	v3 =	vor.u32 v3, v4  }
0x9f: {  	v4 =	vperm.xlane v3, v0;
	_ =	sdelay $0x1  }
0xa0: {  	v3 =	vperm.xlane v3, v2;
	v4 =	vadd.s32 v1, v4;
	_ =	sdelay $0x1  }
0xa1: {  	v3 =	vadd.s32 v1, v3;
	_ =	sdelay $0x1  }
0xa2: {  	s2 =	simm.s32 $0xC400  }
0xa3: {  	[tilespmem:s2], [sflag:$0x2] =	stream.indirect_vreg.gather [hbm4b:s1+s3], $0x80, v4, vm0, $0xb8;
	[tilespmem:$0x18400] =	vst v63  }
0xa4: {  	s17 =	simm.s32 $0xCC00  }
0xa5: {  	[tilespmem:s17], [sflag:$0x2] =	stream.indirect_vreg.gather [hbm4b:s1+s3], $0x80, v3, vm0, $0xb8;
	[tilespmem:$0x18400] =	vst v63  }
0xa6: {  	v3 =	vld [tilespmem:$0xD0];
	_ =	sdelay $0x4  }
0xa7: {  	v13 =	vshll.u32 v3, $0x1  }
0xa8: {  	v3 =	vand.u32 $0x7, v3;
	v4 =	vand.u32 $0xFFFFFFF0, v13  }
0xa9: {  	v3 =	vor.u32 v3, v4  }
0xaa: {  	v4 =	vperm.xlane v3, v0;
	_ =	sdelay $0x1  }
0xab: {  	v3 =	vperm.xlane v3, v2;
	v4 =	vadd.s32 v1, v4;
	_ =	sdelay $0x1  }
0xac: {  	v3 =	vadd.s32 v1, v3;
	_ =	sdelay $0x1  }
0xad: {  	s2 =	simm.s32 $0xD400  }
0xae: {  	[tilespmem:s2], [sflag:$0x2] =	stream.indirect_vreg.gather [hbm4b:s1+s3], $0x80, v4, vm0, $0xb8;
	[tilespmem:$0x18400] =	vst v63  }
0xaf: {  	s17 =	simm.s32 $0xDC00  }
0xb0: {  	[tilespmem:s17], [sflag:$0x2] =	stream.indirect_vreg.gather [hbm4b:s1+s3], $0x80, v3, vm0, $0xb8;
	[tilespmem:$0x18400] =	vst v63  }
0xb1: {  	v3 =	vld [tilespmem:$0xE0];
	_ =	sdelay $0x4  }
0xb2: {  	v14 =	vshll.u32 v3, $0x1  }
0xb3: {  	v3 =	vand.u32 $0x7, v3;
	v4 =	vand.u32 $0xFFFFFFF0, v14  }
0xb4: {  	v3 =	vor.u32 v3, v4  }
0xb5: {  	v4 =	vperm.xlane v3, v0;
	_ =	sdelay $0x1  }
0xb6: {  	v3 =	vperm.xlane v3, v2;
	v4 =	vadd.s32 v1, v4;
	_ =	sdelay $0x1  }
0xb7: {  	v3 =	vadd.s32 v1, v3;
	_ =	sdelay $0x1  }
0xb8: {  	s2 =	simm.s32 $0xE400  }
0xb9: {  	[tilespmem:s2], [sflag:$0x2] =	stream.indirect_vreg.gather [hbm4b:s1+s3], $0x80, v4, vm0, $0xb8;
	[tilespmem:$0x18400] =	vst v63  }
0xba: {  	s17 =	simm.s32 $0xEC00  }
0xbb: {  	[tilespmem:s17], [sflag:$0x2] =	stream.indirect_vreg.gather [hbm4b:s1+s3], $0x80, v3, vm0, $0xb8;
	[tilespmem:$0x18400] =	vst v63  }
0xbc: {  	v3 =	vld [tilespmem:$0xF0];
	_ =	sdelay $0x4  }
0xbd: {  	v15 =	vshll.u32 v3, $0x1  }
0xbe: {  	v3 =	vand.u32 $0x7, v3;
	v4 =	vand.u32 $0xFFFFFFF0, v15  }
0xbf: {  	v3 =	vor.u32 v3, v4  }
0xc0: {  	v4 =	vperm.xlane v3, v0;
	_ =	sdelay $0x1  }
0xc1: {  	v3 =	vperm.xlane v3, v2;
	v4 =	vadd.s32 v1, v4;
	_ =	sdelay $0x1  }
0xc2: {  	v3 =	vadd.s32 v1, v3;
	_ =	sdelay $0x1  }
0xc3: {  	s2 =	simm.s32 $0xF400  }
0xc4: {  	[tilespmem:s2], [sflag:$0x2] =	stream.indirect_vreg.gather [hbm4b:s1+s3], $0x80, v4, vm0, $0xb8;
	[tilespmem:$0x18400] =	vst v63  }
0xc5: {  	s17 =	simm.s32 $0xFC00  }
0xc6: {  	[tilespmem:s17], [sflag:$0x2] =	stream.indirect_vreg.gather [hbm4b:s1+s3], $0x80, v3, vm0, $0xb8;
	[tilespmem:$0x18400] =	vst v63  }
0xc7: {  	_ =	swait.ge [sflag:s13], $0x8000  }
0xc8: {  	[sflag:s13] =	ssyncset.done $0x0  }
0xc9: {  	s0 =	rddreg [dreg:$0xc];
	[sflag:s13] =	ssyncadd.s32 $0xFFFF8000  }
0xca: {  	[hbm4b:s0+s3] =	stream.linear.scatter [tilespmem:s25], [sflag:$0x4], $0x8000, $0x38;
	[tilespmem:$0x18400] =	vst v63  }
0xcb: {  	_ =	swait.ge [sflag:s6], $0x8000  }
0xcc: {  	[sflag:s6] =	ssyncset.done $0x0  }
0xcd: {  	[sflag:s6] =	ssyncadd.s32 $0xFFFF8000  }
0xce: {  	v3 =	vld [tilespmem:$0x100];
	_ =	sdelay $0x4  }
0xcf: {  	v16 =	vshll.u32 v3, $0x1  }
0xd0: {  	v3 =	vand.u32 $0x7, v3;
	v4 =	vand.u32 $0xFFFFFFF0, v16  }
0xd1: {  	v3 =	vor.u32 v3, v4  }
0xd2: {  	v4 =	vperm.xlane v3, v0;
	_ =	sdelay $0x1  }
0xd3: {  	v3 =	vperm.xlane v3, v2;
	v4 =	vadd.s32 v1, v4;
	_ =	sdelay $0x1  }
0xd4: {  	v3 =	vadd.s32 v1, v3;
	_ =	sdelay $0x1  }
0xd5: {  	s0 =	simm.s32 $0x10400  }
0xd6: {  	[tilespmem:s0], [sflag:$0x3] =	stream.indirect_vreg.gather [hbm4b:s1+s3], $0x80, v4, vm0, $0xb8;
	[tilespmem:$0x18400] =	vst v63  }
0xd7: {  	s2 =	simm.s32 $0x10C00  }
0xd8: {  	[tilespmem:s2], [sflag:$0x3] =	stream.indirect_vreg.gather [hbm4b:s1+s3], $0x80, v3, vm0, $0xb8;
	[tilespmem:$0x18400] =	vst v63  }
0xd9: {  	v3 =	vld [tilespmem:$0x110];
	_ =	sdelay $0x4  }
0xda: {  	v17 =	vshll.u32 v3, $0x1  }
0xdb: {  	v3 =	vand.u32 $0x7, v3;
	v4 =	vand.u32 $0xFFFFFFF0, v17  }
0xdc: {  	v3 =	vor.u32 v3, v4  }
0xdd: {  	v4 =	vperm.xlane v3, v0;
	_ =	sdelay $0x1  }
0xde: {  	v3 =	vperm.xlane v3, v2;
	v4 =	vadd.s32 v1, v4;
	_ =	sdelay $0x1  }
0xdf: {  	v3 =	vadd.s32 v1, v3;
	_ =	sdelay $0x2  }
0xe0: {  	[tilespmem:s4], [sflag:$0x3] =	stream.indirect_vreg.gather [hbm4b:s1+s3], $0x80, v4, vm0, $0xb8;
	[tilespmem:$0x18400] =	vst v63  }
0xe1: {  	_ = 	snop  }
0xe2: {  	[tilespmem:s7], [sflag:$0x3] =	stream.indirect_vreg.gather [hbm4b:s1+s3], $0x80, v3, vm0, $0xb8;
	[tilespmem:$0x18400] =	vst v63  }
0xe3: {  	v3 =	vld [tilespmem:$0x120];
	_ =	sdelay $0x4  }
0xe4: {  	v18 =	vshll.u32 v3, $0x1  }
0xe5: {  	v3 =	vand.u32 $0x7, v3;
	v4 =	vand.u32 $0xFFFFFFF0, v18  }
0xe6: {  	v3 =	vor.u32 v3, v4  }
0xe7: {  	v4 =	vperm.xlane v3, v0;
	_ =	sdelay $0x1  }
0xe8: {  	v3 =	vperm.xlane v3, v2;
	v4 =	vadd.s32 v1, v4;
	_ =	sdelay $0x1  }
0xe9: {  	v3 =	vadd.s32 v1, v3;
	_ =	sdelay $0x2  }
0xea: {  	[tilespmem:s8], [sflag:$0x3] =	stream.indirect_vreg.gather [hbm4b:s1+s3], $0x80, v4, vm0, $0xb8;
	[tilespmem:$0x18400] =	vst v63  }
0xeb: {  	_ = 	snop  }
0xec: {  	[tilespmem:s9], [sflag:$0x3] =	stream.indirect_vreg.gather [hbm4b:s1+s3], $0x80, v3, vm0, $0xb8;
	[tilespmem:$0x18400] =	vst v63  }
0xed: {  	v3 =	vld [tilespmem:$0x130];
	_ =	sdelay $0x4  }
0xee: {  	v19 =	vshll.u32 v3, $0x1  }
0xef: {  	v3 =	vand.u32 $0x7, v3;
	v4 =	vand.u32 $0xFFFFFFF0, v19  }
0xf0: {  	v3 =	vor.u32 v3, v4  }
0xf1: {  	v4 =	vperm.xlane v3, v0;
	_ =	sdelay $0x1  }
0xf2: {  	v3 =	vperm.xlane v3, v2;
	v4 =	vadd.s32 v1, v4;
	_ =	sdelay $0x1  }
0xf3: {  	v3 =	vadd.s32 v1, v3;
	_ =	sdelay $0x2  }
0xf4: {  	[tilespmem:s10], [sflag:$0x3] =	stream.indirect_vreg.gather [hbm4b:s1+s3], $0x80, v4, vm0, $0xb8;
	[tilespmem:$0x18400] =	vst v63  }
0xf5: {  	_ = 	snop  }
0xf6: {  	[tilespmem:s11], [sflag:$0x3] =	stream.indirect_vreg.gather [hbm4b:s1+s3], $0x80, v3, vm0, $0xb8;
	[tilespmem:$0x18400] =	vst v63  }
0xf7: {  	v3 =	vld [tilespmem:$0x140];
	_ =	sdelay $0x4  }
0xf8: {  	v20 =	vshll.u32 v3, $0x1  }
0xf9: {  	v3 =	vand.u32 $0x7, v3;
	v4 =	vand.u32 $0xFFFFFFF0, v20  }
0xfa: {  	v3 =	vor.u32 v3, v4  }
0xfb: {  	v4 =	vperm.xlane v3, v0;
	_ =	sdelay $0x1  }
0xfc: {  	v3 =	vperm.xlane v3, v2;
	v4 =	vadd.s32 v1, v4;
	_ =	sdelay $0x1  }
0xfd: {  	v3 =	vadd.s32 v1, v3;
	_ =	sdelay $0x2  }
0xfe: {  	[tilespmem:s12], [sflag:$0x3] =	stream.indirect_vreg.gather [hbm4b:s1+s3], $0x80, v4, vm0, $0xb8;
	[tilespmem:$0x18400] =	vst v63  }
0xff: {  	_ = 	snop  }
0x100: {  	[tilespmem:s14], [sflag:$0x3] =	stream.indirect_vreg.gather [hbm4b:s1+s3], $0x80, v3, vm0, $0xb8;
	[tilespmem:$0x18400] =	vst v63  }
0x101: {  	v3 =	vld [tilespmem:$0x150];
	_ =	sdelay $0x4  }
0x102: {  	v21 =	vshll.u32 v3, $0x1  }
0x103: {  	v3 =	vand.u32 $0x7, v3;
	v4 =	vand.u32 $0xFFFFFFF0, v21  }
0x104: {  	v3 =	vor.u32 v3, v4  }
0x105: {  	v4 =	vperm.xlane v3, v0;
	_ =	sdelay $0x1  }
0x106: {  	v3 =	vperm.xlane v3, v2;
	v4 =	vadd.s32 v1, v4;
	_ =	sdelay $0x1  }
0x107: {  	v3 =	vadd.s32 v1, v3;
	_ =	sdelay $0x2  }
0x108: {  	[tilespmem:s18], [sflag:$0x3] =	stream.indirect_vreg.gather [hbm4b:s1+s3], $0x80, v4, vm0, $0xb8;
	[tilespmem:$0x18400] =	vst v63  }
0x109: {  	_ = 	snop  }
0x10a: {  	[tilespmem:s19], [sflag:$0x3] =	stream.indirect_vreg.gather [hbm4b:s1+s3], $0x80, v3, vm0, $0xb8;
	[tilespmem:$0x18400] =	vst v63  }
0x10b: {  	v3 =	vld [tilespmem:$0x160];
	_ =	sdelay $0x4  }
0x10c: {  	v22 =	vshll.u32 v3, $0x1  }
0x10d: {  	v3 =	vand.u32 $0x7, v3;
	v4 =	vand.u32 $0xFFFFFFF0, v22  }
0x10e: {  	v3 =	vor.u32 v3, v4  }
0x10f: {  	v4 =	vperm.xlane v3, v0;
	_ =	sdelay $0x1  }
0x110: {  	v3 =	vperm.xlane v3, v2;
	v4 =	vadd.s32 v1, v4;
	_ =	sdelay $0x1  }
0x111: {  	v3 =	vadd.s32 v1, v3;
	_ =	sdelay $0x2  }
0x112: {  	[tilespmem:s20], [sflag:$0x3] =	stream.indirect_vreg.gather [hbm4b:s1+s3], $0x80, v4, vm0, $0xb8;
	[tilespmem:$0x18400] =	vst v63  }
0x113: {  	_ = 	snop  }
0x114: {  	[tilespmem:s21], [sflag:$0x3] =	stream.indirect_vreg.gather [hbm4b:s1+s3], $0x80, v3, vm0, $0xb8;
	[tilespmem:$0x18400] =	vst v63  }
0x115: {  	v3 =	vld [tilespmem:$0x170];
	_ =	sdelay $0x4  }
0x116: {  	v23 =	vshll.u32 v3, $0x1  }
0x117: {  	v3 =	vand.u32 $0x7, v3;
	v4 =	vand.u32 $0xFFFFFFF0, v23  }
0x118: {  	v3 =	vor.u32 v3, v4  }
0x119: {  	v4 =	vperm.xlane v3, v0;
	_ =	sdelay $0x1  }
0x11a: {  	v3 =	vperm.xlane v3, v2;
	v4 =	vadd.s32 v1, v4;
	_ =	sdelay $0x1  }
0x11b: {  	v3 =	vadd.s32 v1, v3;
	_ =	sdelay $0x2  }
0x11c: {  	[tilespmem:s22], [sflag:$0x3] =	stream.indirect_vreg.gather [hbm4b:s1+s3], $0x80, v4, vm0, $0xb8;
	[tilespmem:$0x18400] =	vst v63  }
0x11d: {  	_ = 	snop  }
0x11e: {  	[tilespmem:s24], [sflag:$0x3] =	stream.indirect_vreg.gather [hbm4b:s1+s3], $0x80, v3, vm0, $0xb8;
	[tilespmem:$0x18400] =	vst v63  }
0x11f: {  	_ =	swait.ge [sflag:s15], $0x8000  }
0x120: {  	[sflag:s15] =	ssyncset.done $0x0  }
0x121: {  	s17 =	rddreg [dreg:$0x5];
	[sflag:s15] =	ssyncadd.s32 $0xFFFF8000  }
0x122: {  	[hbm4b:s17+s3] =	stream.linear.scatter [tilespmem:s23], [sflag:$0x4], $0x8000, $0x38;
	[tilespmem:$0x18400] =	vst v63  }
0x123: {  	_ =	swait.ge [sflag:s6], $0x8000  }
0x124: {  	[sflag:s6] =	ssyncset.done $0x0  }
0x125: {  	[sflag:s6] =	ssyncadd.s32 $0xFFFF8000  }
0x126: {  	v3 =	vld [tilespmem:$0x180];
	_ =	sdelay $0x4  }
0x127: {  	v24 =	vshll.u32 v3, $0x1  }
0x128: {  	v3 =	vand.u32 $0x7, v3;
	v4 =	vand.u32 $0xFFFFFFF0, v24  }
0x129: {  	v3 =	vor.u32 v3, v4  }
0x12a: {  	v4 =	vperm.xlane v3, v0;
	_ =	sdelay $0x1  }
0x12b: {  	v3 =	vperm.xlane v3, v2;
	v4 =	vadd.s32 v1, v4;
	_ =	sdelay $0x1  }
0x12c: {  	v3 =	vadd.s32 v1, v3;
	_ =	sdelay $0x2  }
0x12d: {  	[tilespmem:s25], [sflag:$0x1] =	stream.indirect_vreg.gather [hbm4b:s1+s3], $0x80, v4, vm0, $0xb8;
	[tilespmem:$0x18400] =	vst v63  }
0x12e: {  	s17 =	simm.s32 $0xC00  }
0x12f: {  	[tilespmem:s17], [sflag:$0x1] =	stream.indirect_vreg.gather [hbm4b:s1+s3], $0x80, v3, vm0, $0xb8;
	[tilespmem:$0x18400] =	vst v63  }
0x130: {  	v3 =	vld [tilespmem:$0x190];
	_ =	sdelay $0x4  }
0x131: {  	v25 =	vshll.u32 v3, $0x1  }
0x132: {  	v3 =	vand.u32 $0x7, v3;
	v4 =	vand.u32 $0xFFFFFFF0, v25  }
0x133: {  	v3 =	vor.u32 v3, v4  }
0x134: {  	v4 =	vperm.xlane v3, v0;
	_ =	sdelay $0x1  }
0x135: {  	v3 =	vperm.xlane v3, v2;
	v4 =	vadd.s32 v1, v4;
	_ =	sdelay $0x1  }
0x136: {  	v3 =	vadd.s32 v1, v3;
	_ =	sdelay $0x1  }
0x137: {  	s17 =	simm.s32 $0x1400  }
0x138: {  	[tilespmem:s17], [sflag:$0x1] =	stream.indirect_vreg.gather [hbm4b:s1+s3], $0x80, v4, vm0, $0xb8;
	[tilespmem:$0x18400] =	vst v63  }
0x139: {  	s17 =	simm.s32 $0x1C00  }
0x13a: {  	[tilespmem:s17], [sflag:$0x1] =	stream.indirect_vreg.gather [hbm4b:s1+s3], $0x80, v3, vm0, $0xb8;
	[tilespmem:$0x18400] =	vst v63  }
0x13b: {  	v3 =	vld [tilespmem:$0x1A0];
	_ =	sdelay $0x4  }
0x13c: {  	v26 =	vshll.u32 v3, $0x1  }
0x13d: {  	v3 =	vand.u32 $0x7, v3;
	v4 =	vand.u32 $0xFFFFFFF0, v26  }
0x13e: {  	v3 =	vor.u32 v3, v4  }
0x13f: {  	v4 =	vperm.xlane v3, v0;
	_ =	sdelay $0x1  }
0x140: {  	v3 =	vperm.xlane v3, v2;
	v4 =	vadd.s32 v1, v4;
	_ =	sdelay $0x1  }
0x141: {  	v3 =	vadd.s32 v1, v3;
	_ =	sdelay $0x1  }
0x142: {  	s17 =	simm.s32 $0x2400  }
0x143: {  	[tilespmem:s17], [sflag:$0x1] =	stream.indirect_vreg.gather [hbm4b:s1+s3], $0x80, v4, vm0, $0xb8;
	[tilespmem:$0x18400] =	vst v63  }
0x144: {  	s17 =	simm.s32 $0x2C00  }
0x145: {  	[tilespmem:s17], [sflag:$0x1] =	stream.indirect_vreg.gather [hbm4b:s1+s3], $0x80, v3, vm0, $0xb8;
	[tilespmem:$0x18400] =	vst v63  }
0x146: {  	v3 =	vld [tilespmem:$0x1B0];
	_ =	sdelay $0x4  }
0x147: {  	v27 =	vshll.u32 v3, $0x1  }
0x148: {  	v3 =	vand.u32 $0x7, v3;
	v4 =	vand.u32 $0xFFFFFFF0, v27  }
0x149: {  	v3 =	vor.u32 v3, v4  }
0x14a: {  	v4 =	vperm.xlane v3, v0;
	_ =	sdelay $0x1  }
0x14b: {  	v3 =	vperm.xlane v3, v2;
	v4 =	vadd.s32 v1, v4;
	_ =	sdelay $0x1  }
0x14c: {  	v3 =	vadd.s32 v1, v3;
	_ =	sdelay $0x1  }
0x14d: {  	s17 =	simm.s32 $0x3400  }
0x14e: {  	[tilespmem:s17], [sflag:$0x1] =	stream.indirect_vreg.gather [hbm4b:s1+s3], $0x80, v4, vm0, $0xb8;
	[tilespmem:$0x18400] =	vst v63  }
0x14f: {  	s17 =	simm.s32 $0x3C00  }
0x150: {  	[tilespmem:s17], [sflag:$0x1] =	stream.indirect_vreg.gather [hbm4b:s1+s3], $0x80, v3, vm0, $0xb8;
	[tilespmem:$0x18400] =	vst v63  }
0x151: {  	v3 =	vld [tilespmem:$0x1C0];
	_ =	sdelay $0x4  }
0x152: {  	v28 =	vshll.u32 v3, $0x1  }
0x153: {  	v3 =	vand.u32 $0x7, v3;
	v4 =	vand.u32 $0xFFFFFFF0, v28  }
0x154: {  	v3 =	vor.u32 v3, v4  }
0x155: {  	v4 =	vperm.xlane v3, v0;
	_ =	sdelay $0x1  }
0x156: {  	v3 =	vperm.xlane v3, v2;
	v4 =	vadd.s32 v1, v4;
	_ =	sdelay $0x1  }
0x157: {  	v3 =	vadd.s32 v1, v3;
	_ =	sdelay $0x2  }
0x158: {  	[tilespmem:s26], [sflag:$0x1] =	stream.indirect_vreg.gather [hbm4b:s1+s3], $0x80, v4, vm0, $0xb8;
	[tilespmem:$0x18400] =	vst v63  }
0x159: {  	_ = 	snop  }
0x15a: {  	[tilespmem:s28], [sflag:$0x1] =	stream.indirect_vreg.gather [hbm4b:s1+s3], $0x80, v3, vm0, $0xb8;
	[tilespmem:$0x18400] =	vst v63  }
0x15b: {  	v3 =	vld [tilespmem:$0x1D0];
	_ =	sdelay $0x4  }
0x15c: {  	v29 =	vshll.u32 v3, $0x1  }
0x15d: {  	v3 =	vand.u32 $0x7, v3;
	v4 =	vand.u32 $0xFFFFFFF0, v29  }
0x15e: {  	v3 =	vor.u32 v3, v4  }
0x15f: {  	v4 =	vperm.xlane v3, v0;
	_ =	sdelay $0x1  }
0x160: {  	v3 =	vperm.xlane v3, v2;
	v4 =	vadd.s32 v1, v4;
	_ =	sdelay $0x1  }
0x161: {  	v3 =	vadd.s32 v1, v3;
	_ =	sdelay $0x2  }
0x162: {  	[tilespmem:s29], [sflag:$0x1] =	stream.indirect_vreg.gather [hbm4b:s1+s3], $0x80, v4, vm0, $0xb8;
	[tilespmem:$0x18400] =	vst v63  }
0x163: {  	_ = 	snop  }
0x164: {  	[tilespmem:s30], [sflag:$0x1] =	stream.indirect_vreg.gather [hbm4b:s1+s3], $0x80, v3, vm0, $0xb8;
	[tilespmem:$0x18400] =	vst v63  }
0x165: {  	v3 =	vld [tilespmem:$0x1E0];
	_ =	sdelay $0x4  }
0x166: {  	v30 =	vshll.u32 v3, $0x1  }
0x167: {  	v3 =	vand.u32 $0x7, v3;
	v4 =	vand.u32 $0xFFFFFFF0, v30  }
0x168: {  	v3 =	vor.u32 v3, v4  }
0x169: {  	v4 =	vperm.xlane v3, v0;
	_ =	sdelay $0x1  }
0x16a: {  	v3 =	vperm.xlane v3, v2;
	v4 =	vadd.s32 v1, v4;
	_ =	sdelay $0x1  }
0x16b: {  	v3 =	vadd.s32 v1, v3;
	_ =	sdelay $0x2  }
0x16c: {  	[tilespmem:s31], [sflag:$0x1] =	stream.indirect_vreg.gather [hbm4b:s1+s3], $0x80, v4, vm0, $0xb8;
	[tilespmem:$0x18400] =	vst v63  }
0x16d: {  	s17 =	simm.s32 $0x6C00  }
0x16e: {  	[tilespmem:s17], [sflag:$0x1] =	stream.indirect_vreg.gather [hbm4b:s1+s3], $0x80, v3, vm0, $0xb8;
	[tilespmem:$0x18400] =	vst v63  }
0x16f: {  	v3 =	vld [tilespmem:$0x1F0];
	_ =	sdelay $0x4  }
0x170: {  	v31 =	vshll.u32 v3, $0x1  }
0x171: {  	v3 =	vand.u32 $0x7, v3;
	v4 =	vand.u32 $0xFFFFFFF0, v31  }
0x172: {  	v3 =	vor.u32 v3, v4  }
0x173: {  	v4 =	vperm.xlane v3, v0;
	_ =	sdelay $0x1  }
0x174: {  	v3 =	vperm.xlane v3, v2;
	v4 =	vadd.s32 v1, v4;
	_ =	sdelay $0x1  }
0x175: {  	v3 =	vadd.s32 v1, v3;
	_ =	sdelay $0x1  }
0x176: {  	s17 =	simm.s32 $0x7400  }
0x177: {  	[tilespmem:s17], [sflag:$0x1] =	stream.indirect_vreg.gather [hbm4b:s1+s3], $0x80, v4, vm0, $0xb8;
	[tilespmem:$0x18400] =	vst v63  }
0x178: {  	s17 =	simm.s32 $0x7C00  }
0x179: {  	[tilespmem:s17], [sflag:$0x1] =	stream.indirect_vreg.gather [hbm4b:s1+s3], $0x80, v3, vm0, $0xb8;
	[tilespmem:$0x18400] =	vst v63  }
0x17a: {  	_ =	swait.ge [sflag:s16], $0x8000  }
0x17b: {  	[sflag:s16] =	ssyncset.done $0x0  }
0x17c: {  	s17 =	rddreg [dreg:$0x6];
	[sflag:s16] =	ssyncadd.s32 $0xFFFF8000  }
0x17d: {  	[hbm4b:s17+s3] =	stream.linear.scatter [tilespmem:s0], [sflag:$0x4], $0x8000, $0x38;
	[tilespmem:$0x18400] =	vst v63  }
0x17e: {  	_ =	swait.ge [sflag:s6], $0x8000  }
0x17f: {  	[sflag:s6] =	ssyncset.done $0x0  }
0x180: {  	[sflag:s6] =	ssyncadd.s32 $0xFFFF8000  }
0x181: {  	v3 =	vld [tilespmem:$0x200];
	_ =	sdelay $0x4  }
0x182: {  	v32 =	vshll.u32 v3, $0x1  }
0x183: {  	v3 =	vand.u32 $0x7, v3;
	v4 =	vand.u32 $0xFFFFFFF0, v32  }
0x184: {  	v3 =	vor.u32 v3, v4  }
0x185: {  	v4 =	vperm.xlane v3, v0;
	_ =	sdelay $0x1  }
0x186: {  	v3 =	vperm.xlane v3, v2;
	v4 =	vadd.s32 v1, v4;
	_ =	sdelay $0x1  }
0x187: {  	v3 =	vadd.s32 v1, v3;
	_ =	sdelay $0x2  }
0x188: {  	[tilespmem:s23], [sflag:$0x2] =	stream.indirect_vreg.gather [hbm4b:s1+s3], $0x80, v4, vm0, $0xb8;
	[tilespmem:$0x18400] =	vst v63  }
0x189: {  	s17 =	simm.s32 $0x8C00  }
0x18a: {  	[tilespmem:s17], [sflag:$0x2] =	stream.indirect_vreg.gather [hbm4b:s1+s3], $0x80, v3, vm0, $0xb8;
	[tilespmem:$0x18400] =	vst v63  }
0x18b: {  	v3 =	vld [tilespmem:$0x210];
	_ =	sdelay $0x4  }
0x18c: {  	v33 =	vshll.u32 v3, $0x1  }
0x18d: {  	v3 =	vand.u32 $0x7, v3;
	v4 =	vand.u32 $0xFFFFFFF0, v33  }
0x18e: {  	v3 =	vor.u32 v3, v4  }
0x18f: {  	v4 =	vperm.xlane v3, v0;
	_ =	sdelay $0x1  }
0x190: {  	v3 =	vperm.xlane v3, v2;
	v4 =	vadd.s32 v1, v4;
	_ =	sdelay $0x1  }
0x191: {  	v3 =	vadd.s32 v1, v3;
	_ =	sdelay $0x1  }
0x192: {  	s17 =	simm.s32 $0x9400  }
0x193: {  	[tilespmem:s17], [sflag:$0x2] =	stream.indirect_vreg.gather [hbm4b:s1+s3], $0x80, v4, vm0, $0xb8;
	[tilespmem:$0x18400] =	vst v63  }
0x194: {  	s17 =	simm.s32 $0x9C00  }
0x195: {  	[tilespmem:s17], [sflag:$0x2] =	stream.indirect_vreg.gather [hbm4b:s1+s3], $0x80, v3, vm0, $0xb8;
	[tilespmem:$0x18400] =	vst v63  }
0x196: {  	v3 =	vld [tilespmem:$0x220];
	_ =	sdelay $0x4  }
0x197: {  	v34 =	vshll.u32 v3, $0x1  }
0x198: {  	v3 =	vand.u32 $0x7, v3;
	v4 =	vand.u32 $0xFFFFFFF0, v34  }
0x199: {  	v3 =	vor.u32 v3, v4  }
0x19a: {  	v4 =	vperm.xlane v3, v0;
	_ =	sdelay $0x1  }
0x19b: {  	v3 =	vperm.xlane v3, v2;
	v4 =	vadd.s32 v1, v4;
	_ =	sdelay $0x1  }
0x19c: {  	v3 =	vadd.s32 v1, v3;
	_ =	sdelay $0x1  }
0x19d: {  	s17 =	simm.s32 $0xA400  }
0x19e: {  	[tilespmem:s17], [sflag:$0x2] =	stream.indirect_vreg.gather [hbm4b:s1+s3], $0x80, v4, vm0, $0xb8;
	[tilespmem:$0x18400] =	vst v63  }
0x19f: {  	s17 =	simm.s32 $0xAC00  }
0x1a0: {  	[tilespmem:s17], [sflag:$0x2] =	stream.indirect_vreg.gather [hbm4b:s1+s3], $0x80, v3, vm0, $0xb8;
	[tilespmem:$0x18400] =	vst v63  }
0x1a1: {  	v3 =	vld [tilespmem:$0x230];
	_ =	sdelay $0x4  }
0x1a2: {  	v35 =	vshll.u32 v3, $0x1  }
0x1a3: {  	v3 =	vand.u32 $0x7, v3;
	v4 =	vand.u32 $0xFFFFFFF0, v35  }
0x1a4: {  	v3 =	vor.u32 v3, v4  }
0x1a5: {  	v4 =	vperm.xlane v3, v0;
	_ =	sdelay $0x1  }
0x1a6: {  	v3 =	vperm.xlane v3, v2;
	v4 =	vadd.s32 v1, v4;
	_ =	sdelay $0x1  }
0x1a7: {  	v3 =	vadd.s32 v1, v3;
	_ =	sdelay $0x1  }
0x1a8: {  	s17 =	simm.s32 $0xB400  }
0x1a9: {  	[tilespmem:s17], [sflag:$0x2] =	stream.indirect_vreg.gather [hbm4b:s1+s3], $0x80, v4, vm0, $0xb8;
	[tilespmem:$0x18400] =	vst v63  }
0x1aa: {  	s17 =	simm.s32 $0xBC00  }
0x1ab: {  	[tilespmem:s17], [sflag:$0x2] =	stream.indirect_vreg.gather [hbm4b:s1+s3], $0x80, v3, vm0, $0xb8;
	[tilespmem:$0x18400] =	vst v63  }
0x1ac: {  	v3 =	vld [tilespmem:$0x240];
	_ =	sdelay $0x4  }
0x1ad: {  	v36 =	vshll.u32 v3, $0x1  }
0x1ae: {  	v3 =	vand.u32 $0x7, v3;
	v4 =	vand.u32 $0xFFFFFFF0, v36  }
0x1af: {  	v3 =	vor.u32 v3, v4  }
0x1b0: {  	v4 =	vperm.xlane v3, v0;
	_ =	sdelay $0x1  }
0x1b1: {  	v3 =	vperm.xlane v3, v2;
	v4 =	vadd.s32 v1, v4;
	_ =	sdelay $0x1  }
0x1b2: {  	v3 =	vadd.s32 v1, v3;
	_ =	sdelay $0x1  }
0x1b3: {  	s17 =	simm.s32 $0xC400  }
0x1b4: {  	[tilespmem:s17], [sflag:$0x2] =	stream.indirect_vreg.gather [hbm4b:s1+s3], $0x80, v4, vm0, $0xb8;
	[tilespmem:$0x18400] =	vst v63  }
0x1b5: {  	s17 =	simm.s32 $0xCC00  }
0x1b6: {  	[tilespmem:s17], [sflag:$0x2] =	stream.indirect_vreg.gather [hbm4b:s1+s3], $0x80, v3, vm0, $0xb8;
	[tilespmem:$0x18400] =	vst v63  }
0x1b7: {  	v3 =	vld [tilespmem:$0x250];
	_ =	sdelay $0x4  }
0x1b8: {  	v37 =	vshll.u32 v3, $0x1  }
0x1b9: {  	v3 =	vand.u32 $0x7, v3;
	v4 =	vand.u32 $0xFFFFFFF0, v37  }
0x1ba: {  	v3 =	vor.u32 v3, v4  }
0x1bb: {  	v4 =	vperm.xlane v3, v0;
	_ =	sdelay $0x1  }
0x1bc: {  	v3 =	vperm.xlane v3, v2;
	v4 =	vadd.s32 v1, v4;
	_ =	sdelay $0x1  }
0x1bd: {  	v3 =	vadd.s32 v1, v3;
	_ =	sdelay $0x1  }
0x1be: {  	s17 =	simm.s32 $0xD400  }
0x1bf: {  	[tilespmem:s17], [sflag:$0x2] =	stream.indirect_vreg.gather [hbm4b:s1+s3], $0x80, v4, vm0, $0xb8;
	[tilespmem:$0x18400] =	vst v63  }
0x1c0: {  	s17 =	simm.s32 $0xDC00  }
0x1c1: {  	[tilespmem:s17], [sflag:$0x2] =	stream.indirect_vreg.gather [hbm4b:s1+s3], $0x80, v3, vm0, $0xb8;
	[tilespmem:$0x18400] =	vst v63  }
0x1c2: {  	v3 =	vld [tilespmem:$0x260];
	_ =	sdelay $0x4  }
0x1c3: {  	v38 =	vshll.u32 v3, $0x1  }
0x1c4: {  	v3 =	vand.u32 $0x7, v3;
	v4 =	vand.u32 $0xFFFFFFF0, v38  }
0x1c5: {  	v3 =	vor.u32 v3, v4  }
0x1c6: {  	v4 =	vperm.xlane v3, v0;
	_ =	sdelay $0x1  }
0x1c7: {  	v3 =	vperm.xlane v3, v2;
	v4 =	vadd.s32 v1, v4;
	_ =	sdelay $0x1  }
0x1c8: {  	v3 =	vadd.s32 v1, v3;
	_ =	sdelay $0x1  }
0x1c9: {  	s17 =	simm.s32 $0xE400  }
0x1ca: {  	[tilespmem:s17], [sflag:$0x2] =	stream.indirect_vreg.gather [hbm4b:s1+s3], $0x80, v4, vm0, $0xb8;
	[tilespmem:$0x18400] =	vst v63  }
0x1cb: {  	s17 =	simm.s32 $0xEC00  }
0x1cc: {  	[tilespmem:s17], [sflag:$0x2] =	stream.indirect_vreg.gather [hbm4b:s1+s3], $0x80, v3, vm0, $0xb8;
	[tilespmem:$0x18400] =	vst v63  }
0x1cd: {  	v3 =	vld [tilespmem:$0x270];
	_ =	sdelay $0x4  }
0x1ce: {  	v39 =	vshll.u32 v3, $0x1  }
0x1cf: {  	v3 =	vand.u32 $0x7, v3;
	v4 =	vand.u32 $0xFFFFFFF0, v39  }
0x1d0: {  	v3 =	vor.u32 v3, v4  }
0x1d1: {  	v4 =	vperm.xlane v3, v0;
	_ =	sdelay $0x1  }
0x1d2: {  	v3 =	vperm.xlane v3, v2;
	v4 =	vadd.s32 v1, v4;
	_ =	sdelay $0x1  }
0x1d3: {  	v3 =	vadd.s32 v1, v3;
	_ =	sdelay $0x1  }
0x1d4: {  	s17 =	simm.s32 $0xF400  }
0x1d5: {  	[tilespmem:s17], [sflag:$0x2] =	stream.indirect_vreg.gather [hbm4b:s1+s3], $0x80, v4, vm0, $0xb8;
	[tilespmem:$0x18400] =	vst v63  }
0x1d6: {  	s17 =	simm.s32 $0xFC00  }
0x1d7: {  	[tilespmem:s17], [sflag:$0x2] =	stream.indirect_vreg.gather [hbm4b:s1+s3], $0x80, v3, vm0, $0xb8;
	[tilespmem:$0x18400] =	vst v63  }
0x1d8: {  	_ =	swait.ge [sflag:s13], $0x8000  }
0x1d9: {  	[sflag:s13] =	ssyncset.done $0x0  }
0x1da: {  	s17 =	rddreg [dreg:$0x7];
	[sflag:s13] =	ssyncadd.s32 $0xFFFF8000  }
0x1db: {  	[hbm4b:s17+s3] =	stream.linear.scatter [tilespmem:s25], [sflag:$0x4], $0x8000, $0x38;
	[tilespmem:$0x18400] =	vst v63  }
0x1dc: {  	_ =	swait.ge [sflag:s6], $0x8000  }
0x1dd: {  	[sflag:s6] =	ssyncset.done $0x0  }
0x1de: {  	[sflag:s6] =	ssyncadd.s32 $0xFFFF8000  }
0x1df: {  	v3 =	vld [tilespmem:$0x280];
	_ =	sdelay $0x4  }
0x1e0: {  	v40 =	vshll.u32 v3, $0x1  }
0x1e1: {  	v3 =	vand.u32 $0x7, v3;
	v4 =	vand.u32 $0xFFFFFFF0, v40  }
0x1e2: {  	v3 =	vor.u32 v3, v4  }
0x1e3: {  	v4 =	vperm.xlane v3, v0;
	_ =	sdelay $0x1  }
0x1e4: {  	v3 =	vperm.xlane v3, v2;
	v4 =	vadd.s32 v1, v4;
	_ =	sdelay $0x1  }
0x1e5: {  	v3 =	vadd.s32 v1, v3;
	_ =	sdelay $0x2  }
0x1e6: {  	[tilespmem:s0], [sflag:$0x3] =	stream.indirect_vreg.gather [hbm4b:s1+s3], $0x80, v4, vm0, $0xb8;
	[tilespmem:$0x18400] =	vst v63  }
0x1e7: {  	_ = 	snop  }
0x1e8: {  	[tilespmem:s2], [sflag:$0x3] =	stream.indirect_vreg.gather [hbm4b:s1+s3], $0x80, v3, vm0, $0xb8;
	[tilespmem:$0x18400] =	vst v63  }
0x1e9: {  	v3 =	vld [tilespmem:$0x290];
	_ =	sdelay $0x4  }
0x1ea: {  	v41 =	vshll.u32 v3, $0x1  }
0x1eb: {  	v3 =	vand.u32 $0x7, v3;
	v4 =	vand.u32 $0xFFFFFFF0, v41  }
0x1ec: {  	v3 =	vor.u32 v3, v4  }
0x1ed: {  	v4 =	vperm.xlane v3, v0;
	_ =	sdelay $0x1  }
0x1ee: {  	v3 =	vperm.xlane v3, v2;
	v4 =	vadd.s32 v1, v4;
	_ =	sdelay $0x1  }
0x1ef: {  	v3 =	vadd.s32 v1, v3;
	_ =	sdelay $0x2  }
0x1f0: {  	[tilespmem:s4], [sflag:$0x3] =	stream.indirect_vreg.gather [hbm4b:s1+s3], $0x80, v4, vm0, $0xb8;
	[tilespmem:$0x18400] =	vst v63  }
0x1f1: {  	_ = 	snop  }
0x1f2: {  	[tilespmem:s7], [sflag:$0x3] =	stream.indirect_vreg.gather [hbm4b:s1+s3], $0x80, v3, vm0, $0xb8;
	[tilespmem:$0x18400] =	vst v63  }
0x1f3: {  	v3 =	vld [tilespmem:$0x2A0];
	_ =	sdelay $0x4  }
0x1f4: {  	v42 =	vshll.u32 v3, $0x1  }
0x1f5: {  	v3 =	vand.u32 $0x7, v3;
	v4 =	vand.u32 $0xFFFFFFF0, v42  }
0x1f6: {  	v3 =	vor.u32 v3, v4  }
0x1f7: {  	v4 =	vperm.xlane v3, v0;
	_ =	sdelay $0x1  }
0x1f8: {  	v3 =	vperm.xlane v3, v2;
	v4 =	vadd.s32 v1, v4;
	_ =	sdelay $0x1  }
0x1f9: {  	v3 =	vadd.s32 v1, v3;
	_ =	sdelay $0x2  }
0x1fa: {  	[tilespmem:s8], [sflag:$0x3] =	stream.indirect_vreg.gather [hbm4b:s1+s3], $0x80, v4, vm0, $0xb8;
	[tilespmem:$0x18400] =	vst v63  }
0x1fb: {  	_ = 	snop  }
0x1fc: {  	[tilespmem:s9], [sflag:$0x3] =	stream.indirect_vreg.gather [hbm4b:s1+s3], $0x80, v3, vm0, $0xb8;
	[tilespmem:$0x18400] =	vst v63  }
0x1fd: {  	v3 =	vld [tilespmem:$0x2B0];
	_ =	sdelay $0x4  }
0x1fe: {  	v43 =	vshll.u32 v3, $0x1  }
0x1ff: {  	v3 =	vand.u32 $0x7, v3;
	v4 =	vand.u32 $0xFFFFFFF0, v43  }
0x200: {  	v3 =	vor.u32 v3, v4  }
0x201: {  	v4 =	vperm.xlane v3, v0;
	_ =	sdelay $0x1  }
0x202: {  	v3 =	vperm.xlane v3, v2;
	v4 =	vadd.s32 v1, v4;
	_ =	sdelay $0x1  }
0x203: {  	v3 =	vadd.s32 v1, v3;
	_ =	sdelay $0x2  }
0x204: {  	[tilespmem:s10], [sflag:$0x3] =	stream.indirect_vreg.gather [hbm4b:s1+s3], $0x80, v4, vm0, $0xb8;
	[tilespmem:$0x18400] =	vst v63  }
0x205: {  	_ = 	snop  }
0x206: {  	[tilespmem:s11], [sflag:$0x3] =	stream.indirect_vreg.gather [hbm4b:s1+s3], $0x80, v3, vm0, $0xb8;
	[tilespmem:$0x18400] =	vst v63  }
0x207: {  	v3 =	vld [tilespmem:$0x2C0];
	_ =	sdelay $0x4  }
0x208: {  	v44 =	vshll.u32 v3, $0x1  }
0x209: {  	v3 =	vand.u32 $0x7, v3;
	v4 =	vand.u32 $0xFFFFFFF0, v44  }
0x20a: {  	v3 =	vor.u32 v3, v4  }
0x20b: {  	v4 =	vperm.xlane v3, v0;
	_ =	sdelay $0x1  }
0x20c: {  	v3 =	vperm.xlane v3, v2;
	v4 =	vadd.s32 v1, v4;
	_ =	sdelay $0x1  }
0x20d: {  	v3 =	vadd.s32 v1, v3;
	_ =	sdelay $0x2  }
0x20e: {  	[tilespmem:s12], [sflag:$0x3] =	stream.indirect_vreg.gather [hbm4b:s1+s3], $0x80, v4, vm0, $0xb8;
	[tilespmem:$0x18400] =	vst v63  }
0x20f: {  	_ = 	snop  }
0x210: {  	[tilespmem:s14], [sflag:$0x3] =	stream.indirect_vreg.gather [hbm4b:s1+s3], $0x80, v3, vm0, $0xb8;
	[tilespmem:$0x18400] =	vst v63  }
0x211: {  	v3 =	vld [tilespmem:$0x2D0];
	_ =	sdelay $0x4  }
0x212: {  	v45 =	vshll.u32 v3, $0x1  }
0x213: {  	v3 =	vand.u32 $0x7, v3;
	v4 =	vand.u32 $0xFFFFFFF0, v45  }
0x214: {  	v3 =	vor.u32 v3, v4  }
0x215: {  	v4 =	vperm.xlane v3, v0;
	_ =	sdelay $0x1  }
0x216: {  	v3 =	vperm.xlane v3, v2;
	v4 =	vadd.s32 v1, v4;
	_ =	sdelay $0x1  }
0x217: {  	v3 =	vadd.s32 v1, v3;
	_ =	sdelay $0x2  }
0x218: {  	[tilespmem:s18], [sflag:$0x3] =	stream.indirect_vreg.gather [hbm4b:s1+s3], $0x80, v4, vm0, $0xb8;
	[tilespmem:$0x18400] =	vst v63  }
0x219: {  	_ = 	snop  }
0x21a: {  	[tilespmem:s19], [sflag:$0x3] =	stream.indirect_vreg.gather [hbm4b:s1+s3], $0x80, v3, vm0, $0xb8;
	[tilespmem:$0x18400] =	vst v63  }
0x21b: {  	v3 =	vld [tilespmem:$0x2E0];
	_ =	sdelay $0x4  }
0x21c: {  	v46 =	vshll.u32 v3, $0x1  }
0x21d: {  	v3 =	vand.u32 $0x7, v3;
	v4 =	vand.u32 $0xFFFFFFF0, v46  }
0x21e: {  	v3 =	vor.u32 v3, v4  }
0x21f: {  	v4 =	vperm.xlane v3, v0;
	_ =	sdelay $0x1  }
0x220: {  	v3 =	vperm.xlane v3, v2;
	v4 =	vadd.s32 v1, v4;
	_ =	sdelay $0x1  }
0x221: {  	v3 =	vadd.s32 v1, v3;
	_ =	sdelay $0x2  }
0x222: {  	[tilespmem:s20], [sflag:$0x3] =	stream.indirect_vreg.gather [hbm4b:s1+s3], $0x80, v4, vm0, $0xb8;
	[tilespmem:$0x18400] =	vst v63  }
0x223: {  	_ = 	snop  }
0x224: {  	[tilespmem:s21], [sflag:$0x3] =	stream.indirect_vreg.gather [hbm4b:s1+s3], $0x80, v3, vm0, $0xb8;
	[tilespmem:$0x18400] =	vst v63  }
0x225: {  	v3 =	vld [tilespmem:$0x2F0];
	_ =	sdelay $0x4  }
0x226: {  	v47 =	vshll.u32 v3, $0x1  }
0x227: {  	v3 =	vand.u32 $0x7, v3;
	v4 =	vand.u32 $0xFFFFFFF0, v47  }
0x228: {  	v3 =	vor.u32 v3, v4  }
0x229: {  	v4 =	vperm.xlane v3, v0;
	_ =	sdelay $0x1  }
0x22a: {  	v3 =	vperm.xlane v3, v2;
	v4 =	vadd.s32 v1, v4;
	_ =	sdelay $0x1  }
0x22b: {  	v3 =	vadd.s32 v1, v3;
	_ =	sdelay $0x2  }
0x22c: {  	[tilespmem:s22], [sflag:$0x3] =	stream.indirect_vreg.gather [hbm4b:s1+s3], $0x80, v4, vm0, $0xb8;
	[tilespmem:$0x18400] =	vst v63  }
0x22d: {  	_ = 	snop  }
0x22e: {  	[tilespmem:s24], [sflag:$0x3] =	stream.indirect_vreg.gather [hbm4b:s1+s3], $0x80, v3, vm0, $0xb8;
	[tilespmem:$0x18400] =	vst v63  }
0x22f: {  	_ =	swait.ge [sflag:s15], $0x8000  }
0x230: {  	[sflag:s15] =	ssyncset.done $0x0  }
0x231: {  	s2 =	rddreg [dreg:$0x8];
	[sflag:s15] =	ssyncadd.s32 $0xFFFF8000  }
0x232: {  	[hbm4b:s2+s3] =	stream.linear.scatter [tilespmem:s23], [sflag:$0x4], $0x8000, $0x38;
	[tilespmem:$0x18400] =	vst v63  }
0x233: {  	_ =	swait.ge [sflag:s6], $0x8000  }
0x234: {  	[sflag:s6] =	ssyncset.done $0x0  }
0x235: {  	[sflag:s6] =	ssyncadd.s32 $0xFFFF8000  }
0x236: {  	v3 =	vld [tilespmem:$0x300];
	_ =	sdelay $0x4  }
0x237: {  	v48 =	vshll.u32 v3, $0x1  }
0x238: {  	v3 =	vand.u32 $0x7, v3;
	v4 =	vand.u32 $0xFFFFFFF0, v48  }
0x239: {  	v3 =	vor.u32 v3, v4  }
0x23a: {  	v4 =	vperm.xlane v3, v0;
	_ =	sdelay $0x1  }
0x23b: {  	v3 =	vperm.xlane v3, v2;
	v4 =	vadd.s32 v1, v4;
	_ =	sdelay $0x1  }
0x23c: {  	v3 =	vadd.s32 v1, v3;
	_ =	sdelay $0x2  }
0x23d: {  	[tilespmem:s25], [sflag:$0x1] =	stream.indirect_vreg.gather [hbm4b:s1+s3], $0x80, v4, vm0, $0xb8;
	[tilespmem:$0x18400] =	vst v63  }
0x23e: {  	s17 =	simm.s32 $0xC00  }
0x23f: {  	[tilespmem:s17], [sflag:$0x1] =	stream.indirect_vreg.gather [hbm4b:s1+s3], $0x80, v3, vm0, $0xb8;
	[tilespmem:$0x18400] =	vst v63  }
0x240: {  	v3 =	vld [tilespmem:$0x310];
	_ =	sdelay $0x4  }
0x241: {  	v49 =	vshll.u32 v3, $0x1  }
0x242: {  	v3 =	vand.u32 $0x7, v3;
	v4 =	vand.u32 $0xFFFFFFF0, v49  }
0x243: {  	v3 =	vor.u32 v3, v4  }
0x244: {  	v4 =	vperm.xlane v3, v0;
	_ =	sdelay $0x1  }
0x245: {  	v3 =	vperm.xlane v3, v2;
	v4 =	vadd.s32 v1, v4;
	_ =	sdelay $0x1  }
0x246: {  	v3 =	vadd.s32 v1, v3;
	_ =	sdelay $0x1  }
0x247: {  	s17 =	simm.s32 $0x1400  }
0x248: {  	[tilespmem:s17], [sflag:$0x1] =	stream.indirect_vreg.gather [hbm4b:s1+s3], $0x80, v4, vm0, $0xb8;
	[tilespmem:$0x18400] =	vst v63  }
0x249: {  	s17 =	simm.s32 $0x1C00  }
0x24a: {  	[tilespmem:s17], [sflag:$0x1] =	stream.indirect_vreg.gather [hbm4b:s1+s3], $0x80, v3, vm0, $0xb8;
	[tilespmem:$0x18400] =	vst v63  }
0x24b: {  	v3 =	vld [tilespmem:$0x320];
	_ =	sdelay $0x4  }
0x24c: {  	v50 =	vshll.u32 v3, $0x1  }
0x24d: {  	v3 =	vand.u32 $0x7, v3;
	v4 =	vand.u32 $0xFFFFFFF0, v50  }
0x24e: {  	v3 =	vor.u32 v3, v4  }
0x24f: {  	v4 =	vperm.xlane v3, v0;
	_ =	sdelay $0x1  }
0x250: {  	v3 =	vperm.xlane v3, v2;
	v4 =	vadd.s32 v1, v4;
	_ =	sdelay $0x1  }
0x251: {  	v3 =	vadd.s32 v1, v3;
	_ =	sdelay $0x1  }
0x252: {  	s17 =	simm.s32 $0x2400  }
0x253: {  	[tilespmem:s17], [sflag:$0x1] =	stream.indirect_vreg.gather [hbm4b:s1+s3], $0x80, v4, vm0, $0xb8;
	[tilespmem:$0x18400] =	vst v63  }
0x254: {  	s17 =	simm.s32 $0x2C00  }
0x255: {  	[tilespmem:s17], [sflag:$0x1] =	stream.indirect_vreg.gather [hbm4b:s1+s3], $0x80, v3, vm0, $0xb8;
	[tilespmem:$0x18400] =	vst v63  }
0x256: {  	v3 =	vld [tilespmem:$0x330];
	_ =	sdelay $0x4  }
0x257: {  	v51 =	vshll.u32 v3, $0x1  }
0x258: {  	v3 =	vand.u32 $0x7, v3;
	v4 =	vand.u32 $0xFFFFFFF0, v51  }
0x259: {  	v3 =	vor.u32 v3, v4  }
0x25a: {  	v4 =	vperm.xlane v3, v0;
	_ =	sdelay $0x1  }
0x25b: {  	v3 =	vperm.xlane v3, v2;
	v4 =	vadd.s32 v1, v4;
	_ =	sdelay $0x1  }
0x25c: {  	v3 =	vadd.s32 v1, v3;
	_ =	sdelay $0x1  }
0x25d: {  	s17 =	simm.s32 $0x3400  }
0x25e: {  	[tilespmem:s17], [sflag:$0x1] =	stream.indirect_vreg.gather [hbm4b:s1+s3], $0x80, v4, vm0, $0xb8;
	[tilespmem:$0x18400] =	vst v63  }
0x25f: {  	s17 =	simm.s32 $0x3C00  }
0x260: {  	[tilespmem:s17], [sflag:$0x1] =	stream.indirect_vreg.gather [hbm4b:s1+s3], $0x80, v3, vm0, $0xb8;
	[tilespmem:$0x18400] =	vst v63  }
0x261: {  	v3 =	vld [tilespmem:$0x340];
	_ =	sdelay $0x4  }
0x262: {  	v52 =	vshll.u32 v3, $0x1  }
0x263: {  	v3 =	vand.u32 $0x7, v3;
	v4 =	vand.u32 $0xFFFFFFF0, v52  }
0x264: {  	v3 =	vor.u32 v3, v4  }
0x265: {  	v4 =	vperm.xlane v3, v0;
	_ =	sdelay $0x1  }
0x266: {  	v3 =	vperm.xlane v3, v2;
	v4 =	vadd.s32 v1, v4;
	_ =	sdelay $0x1  }
0x267: {  	v3 =	vadd.s32 v1, v3;
	_ =	sdelay $0x2  }
0x268: {  	[tilespmem:s26], [sflag:$0x1] =	stream.indirect_vreg.gather [hbm4b:s1+s3], $0x80, v4, vm0, $0xb8;
	[tilespmem:$0x18400] =	vst v63  }
0x269: {  	_ = 	snop  }
0x26a: {  	[tilespmem:s28], [sflag:$0x1] =	stream.indirect_vreg.gather [hbm4b:s1+s3], $0x80, v3, vm0, $0xb8;
	[tilespmem:$0x18400] =	vst v63  }
0x26b: {  	v3 =	vld [tilespmem:$0x350];
	_ =	sdelay $0x4  }
0x26c: {  	v53 =	vshll.u32 v3, $0x1  }
0x26d: {  	v3 =	vand.u32 $0x7, v3;
	v4 =	vand.u32 $0xFFFFFFF0, v53  }
0x26e: {  	v3 =	vor.u32 v3, v4  }
0x26f: {  	v4 =	vperm.xlane v3, v0;
	_ =	sdelay $0x1  }
0x270: {  	v3 =	vperm.xlane v3, v2;
	v4 =	vadd.s32 v1, v4;
	_ =	sdelay $0x1  }
0x271: {  	v3 =	vadd.s32 v1, v3;
	_ =	sdelay $0x2  }
0x272: {  	[tilespmem:s29], [sflag:$0x1] =	stream.indirect_vreg.gather [hbm4b:s1+s3], $0x80, v4, vm0, $0xb8;
	[tilespmem:$0x18400] =	vst v63  }
0x273: {  	_ = 	snop  }
0x274: {  	[tilespmem:s30], [sflag:$0x1] =	stream.indirect_vreg.gather [hbm4b:s1+s3], $0x80, v3, vm0, $0xb8;
	[tilespmem:$0x18400] =	vst v63  }
0x275: {  	v3 =	vld [tilespmem:$0x360];
	_ =	sdelay $0x4  }
0x276: {  	v54 =	vshll.u32 v3, $0x1  }
0x277: {  	v3 =	vand.u32 $0x7, v3;
	v4 =	vand.u32 $0xFFFFFFF0, v54  }
0x278: {  	v3 =	vor.u32 v3, v4  }
0x279: {  	v4 =	vperm.xlane v3, v0;
	_ =	sdelay $0x1  }
0x27a: {  	v3 =	vperm.xlane v3, v2;
	v4 =	vadd.s32 v1, v4;
	_ =	sdelay $0x1  }
0x27b: {  	v3 =	vadd.s32 v1, v3;
	_ =	sdelay $0x2  }
0x27c: {  	[tilespmem:s31], [sflag:$0x1] =	stream.indirect_vreg.gather [hbm4b:s1+s3], $0x80, v4, vm0, $0xb8;
	[tilespmem:$0x18400] =	vst v63  }
0x27d: {  	s17 =	simm.s32 $0x6C00  }
0x27e: {  	[tilespmem:s17], [sflag:$0x1] =	stream.indirect_vreg.gather [hbm4b:s1+s3], $0x80, v3, vm0, $0xb8;
	[tilespmem:$0x18400] =	vst v63  }
0x27f: {  	v3 =	vld [tilespmem:$0x370];
	_ =	sdelay $0x4  }
0x280: {  	v55 =	vshll.u32 v3, $0x1  }
0x281: {  	v3 =	vand.u32 $0x7, v3;
	v4 =	vand.u32 $0xFFFFFFF0, v55  }
0x282: {  	v3 =	vor.u32 v3, v4  }
0x283: {  	v4 =	vperm.xlane v3, v0;
	_ =	sdelay $0x1  }
0x284: {  	v3 =	vperm.xlane v3, v2;
	v4 =	vadd.s32 v1, v4;
	_ =	sdelay $0x1  }
0x285: {  	v3 =	vadd.s32 v1, v3;
	_ =	sdelay $0x1  }
0x286: {  	s17 =	simm.s32 $0x7400  }
0x287: {  	[tilespmem:s17], [sflag:$0x1] =	stream.indirect_vreg.gather [hbm4b:s1+s3], $0x80, v4, vm0, $0xb8;
	[tilespmem:$0x18400] =	vst v63  }
0x288: {  	s17 =	simm.s32 $0x7C00  }
0x289: {  	[tilespmem:s17], [sflag:$0x1] =	stream.indirect_vreg.gather [hbm4b:s1+s3], $0x80, v3, vm0, $0xb8;
	[tilespmem:$0x18400] =	vst v63  }
0x28a: {  	_ =	swait.ge [sflag:s16], $0x8000  }
0x28b: {  	[sflag:s16] =	ssyncset.done $0x0  }
0x28c: {  	s2 =	rddreg [dreg:$0x9];
	[sflag:s16] =	ssyncadd.s32 $0xFFFF8000  }
0x28d: {  	[hbm4b:s2+s3] =	stream.linear.scatter [tilespmem:s0], [sflag:$0x4], $0x8000, $0x38;
	[tilespmem:$0x18400] =	vst v63  }
0x28e: {  	_ =	swait.ge [sflag:s6], $0x8000  }
0x28f: {  	[sflag:s6] =	ssyncset.done $0x0  }
0x290: {  	[sflag:s6] =	ssyncadd.s32 $0xFFFF8000  }
0x291: {  	v3 =	vld [tilespmem:$0x380];
	_ =	sdelay $0x4  }
0x292: {  	v56 =	vshll.u32 v3, $0x1  }
0x293: {  	v3 =	vand.u32 $0x7, v3;
	v4 =	vand.u32 $0xFFFFFFF0, v56  }
0x294: {  	v3 =	vor.u32 v3, v4  }
0x295: {  	v4 =	vperm.xlane v3, v0;
	_ =	sdelay $0x1  }
0x296: {  	v3 =	vperm.xlane v3, v2;
	v4 =	vadd.s32 v1, v4;
	_ =	sdelay $0x1  }
0x297: {  	v3 =	vadd.s32 v1, v3;
	_ =	sdelay $0x2  }
0x298: {  	[tilespmem:s23], [sflag:$0x2] =	stream.indirect_vreg.gather [hbm4b:s1+s3], $0x80, v4, vm0, $0xb8;
	[tilespmem:$0x18400] =	vst v63  }
0x299: {  	s17 =	simm.s32 $0x8C00  }
0x29a: {  	[tilespmem:s17], [sflag:$0x2] =	stream.indirect_vreg.gather [hbm4b:s1+s3], $0x80, v3, vm0, $0xb8;
	[tilespmem:$0x18400] =	vst v63  }
0x29b: {  	v3 =	vld [tilespmem:$0x390];
	_ =	sdelay $0x4  }
0x29c: {  	v57 =	vshll.u32 v3, $0x1  }
0x29d: {  	v3 =	vand.u32 $0x7, v3;
	v4 =	vand.u32 $0xFFFFFFF0, v57  }
0x29e: {  	v3 =	vor.u32 v3, v4  }
0x29f: {  	v4 =	vperm.xlane v3, v0;
	_ =	sdelay $0x1  }
0x2a0: {  	v3 =	vperm.xlane v3, v2;
	v4 =	vadd.s32 v1, v4;
	_ =	sdelay $0x1  }
0x2a1: {  	v3 =	vadd.s32 v1, v3;
	_ =	sdelay $0x1  }
0x2a2: {  	s2 =	simm.s32 $0x9400  }
0x2a3: {  	[tilespmem:s2], [sflag:$0x2] =	stream.indirect_vreg.gather [hbm4b:s1+s3], $0x80, v4, vm0, $0xb8;
	[tilespmem:$0x18400] =	vst v63  }
0x2a4: {  	s17 =	simm.s32 $0x9C00  }
0x2a5: {  	[tilespmem:s17], [sflag:$0x2] =	stream.indirect_vreg.gather [hbm4b:s1+s3], $0x80, v3, vm0, $0xb8;
	[tilespmem:$0x18400] =	vst v63  }
0x2a6: {  	v3 =	vld [tilespmem:$0x3A0];
	_ =	sdelay $0x4  }
0x2a7: {  	v58 =	vshll.u32 v3, $0x1  }
0x2a8: {  	v3 =	vand.u32 $0x7, v3;
	v4 =	vand.u32 $0xFFFFFFF0, v58  }
0x2a9: {  	v3 =	vor.u32 v3, v4  }
0x2aa: {  	v4 =	vperm.xlane v3, v0;
	_ =	sdelay $0x1  }
0x2ab: {  	v3 =	vperm.xlane v3, v2;
	v4 =	vadd.s32 v1, v4;
	_ =	sdelay $0x1  }
0x2ac: {  	v3 =	vadd.s32 v1, v3;
	_ =	sdelay $0x1  }
0x2ad: {  	s2 =	simm.s32 $0xA400  }
0x2ae: {  	[tilespmem:s2], [sflag:$0x2] =	stream.indirect_vreg.gather [hbm4b:s1+s3], $0x80, v4, vm0, $0xb8;
	[tilespmem:$0x18400] =	vst v63  }
0x2af: {  	s17 =	simm.s32 $0xAC00  }
0x2b0: {  	[tilespmem:s17], [sflag:$0x2] =	stream.indirect_vreg.gather [hbm4b:s1+s3], $0x80, v3, vm0, $0xb8;
	[tilespmem:$0x18400] =	vst v63  }
0x2b1: {  	v3 =	vld [tilespmem:$0x3B0];
	_ =	sdelay $0x4  }
0x2b2: {  	v59 =	vshll.u32 v3, $0x1  }
0x2b3: {  	v3 =	vand.u32 $0x7, v3;
	v4 =	vand.u32 $0xFFFFFFF0, v59  }
0x2b4: {  	v3 =	vor.u32 v3, v4  }
0x2b5: {  	v4 =	vperm.xlane v3, v0;
	_ =	sdelay $0x1  }
0x2b6: {  	v3 =	vperm.xlane v3, v2;
	v4 =	vadd.s32 v1, v4;
	_ =	sdelay $0x1  }
0x2b7: {  	v3 =	vadd.s32 v1, v3;
	_ =	sdelay $0x1  }
0x2b8: {  	s2 =	simm.s32 $0xB400  }
0x2b9: {  	[tilespmem:s2], [sflag:$0x2] =	stream.indirect_vreg.gather [hbm4b:s1+s3], $0x80, v4, vm0, $0xb8;
	[tilespmem:$0x18400] =	vst v63  }
0x2ba: {  	s17 =	simm.s32 $0xBC00  }
0x2bb: {  	[tilespmem:s17], [sflag:$0x2] =	stream.indirect_vreg.gather [hbm4b:s1+s3], $0x80, v3, vm0, $0xb8;
	[tilespmem:$0x18400] =	vst v63  }
0x2bc: {  	v3 =	vld [tilespmem:$0x3C0];
	_ =	sdelay $0x4  }
0x2bd: {  	v60 =	vshll.u32 v3, $0x1  }
0x2be: {  	v3 =	vand.u32 $0x7, v3;
	v4 =	vand.u32 $0xFFFFFFF0, v60  }
0x2bf: {  	v3 =	vor.u32 v3, v4  }
0x2c0: {  	v4 =	vperm.xlane v3, v0;
	_ =	sdelay $0x1  }
0x2c1: {  	v3 =	vperm.xlane v3, v2;
	v4 =	vadd.s32 v1, v4;
	_ =	sdelay $0x1  }
0x2c2: {  	v3 =	vadd.s32 v1, v3;
	_ =	sdelay $0x1  }
0x2c3: {  	s2 =	simm.s32 $0xC400  }
0x2c4: {  	[tilespmem:s2], [sflag:$0x2] =	stream.indirect_vreg.gather [hbm4b:s1+s3], $0x80, v4, vm0, $0xb8;
	[tilespmem:$0x18400] =	vst v63  }
0x2c5: {  	s17 =	simm.s32 $0xCC00  }
0x2c6: {  	[tilespmem:s17], [sflag:$0x2] =	stream.indirect_vreg.gather [hbm4b:s1+s3], $0x80, v3, vm0, $0xb8;
	[tilespmem:$0x18400] =	vst v63  }
0x2c7: {  	v3 =	vld [tilespmem:$0x3D0];
	_ =	sdelay $0x4  }
0x2c8: {  	v61 =	vshll.u32 v3, $0x1  }
0x2c9: {  	v3 =	vand.u32 $0x7, v3;
	v4 =	vand.u32 $0xFFFFFFF0, v61  }
0x2ca: {  	v3 =	vor.u32 v3, v4  }
0x2cb: {  	v4 =	vperm.xlane v3, v0;
	_ =	sdelay $0x1  }
0x2cc: {  	v3 =	vperm.xlane v3, v2;
	v4 =	vadd.s32 v1, v4;
	_ =	sdelay $0x1  }
0x2cd: {  	v3 =	vadd.s32 v1, v3;
	_ =	sdelay $0x1  }
0x2ce: {  	s2 =	simm.s32 $0xD400  }
0x2cf: {  	[tilespmem:s2], [sflag:$0x2] =	stream.indirect_vreg.gather [hbm4b:s1+s3], $0x80, v4, vm0, $0xb8;
	[tilespmem:$0x18400] =	vst v63  }
0x2d0: {  	s17 =	simm.s32 $0xDC00  }
0x2d1: {  	[tilespmem:s17], [sflag:$0x2] =	stream.indirect_vreg.gather [hbm4b:s1+s3], $0x80, v3, vm0, $0xb8;
	[tilespmem:$0x18400] =	vst v63  }
0x2d2: {  	v3 =	vld [tilespmem:$0x3E0];
	_ =	sdelay $0x4  }
0x2d3: {  	v62 =	vshll.u32 v3, $0x1  }
0x2d4: {  	v3 =	vand.u32 $0x7, v3;
	v4 =	vand.u32 $0xFFFFFFF0, v62  }
0x2d5: {  	v3 =	vor.u32 v3, v4  }
0x2d6: {  	v4 =	vperm.xlane v3, v0;
	_ =	sdelay $0x1  }
0x2d7: {  	v3 =	vperm.xlane v3, v2;
	v4 =	vadd.s32 v1, v4;
	_ =	sdelay $0x1  }
0x2d8: {  	v3 =	vadd.s32 v1, v3;
	_ =	sdelay $0x1  }
0x2d9: {  	s2 =	simm.s32 $0xE400  }
0x2da: {  	[tilespmem:s2], [sflag:$0x2] =	stream.indirect_vreg.gather [hbm4b:s1+s3], $0x80, v4, vm0, $0xb8;
	[tilespmem:$0x18400] =	vst v63  }
0x2db: {  	s17 =	simm.s32 $0xEC00  }
0x2dc: {  	[tilespmem:s17], [sflag:$0x2] =	stream.indirect_vreg.gather [hbm4b:s1+s3], $0x80, v3, vm0, $0xb8;
	[tilespmem:$0x18400] =	vst v63  }
0x2dd: {  	v3 =	vld [tilespmem:$0x3F0];
	_ =	sdelay $0x4  }
0x2de: {  	v63 =	vshll.u32 v3, $0x1  }
0x2df: {  	v3 =	vand.u32 $0x7, v3;
	v4 =	vand.u32 $0xFFFFFFF0, v63  }
0x2e0: {  	v3 =	vor.u32 v3, v4  }
0x2e1: {  	v4 =	vperm.xlane v3, v0;
	_ =	sdelay $0x1  }
0x2e2: {  	v3 =	vperm.xlane v3, v2;
	v4 =	vadd.s32 v1, v4;
	_ =	sdelay $0x1  }
0x2e3: {  	v3 =	vadd.s32 v1, v3;
	_ =	sdelay $0x1  }
0x2e4: {  	s2 =	simm.s32 $0xF400  }
0x2e5: {  	[tilespmem:s2], [sflag:$0x2] =	stream.indirect_vreg.gather [hbm4b:s1+s3], $0x80, v4, vm0, $0xb8;
	[tilespmem:$0x18400] =	vst v63  }
0x2e6: {  	s17 =	simm.s32 $0xFC00  }
0x2e7: {  	[tilespmem:s17], [sflag:$0x2] =	stream.indirect_vreg.gather [hbm4b:s1+s3], $0x80, v3, vm0, $0xb8;
	[tilespmem:$0x18400] =	vst v63  }
0x2e8: {  	_ =	swait.ge [sflag:s13], $0x8000  }
0x2e9: {  	[sflag:s13] =	ssyncset.done $0x0  }
0x2ea: {  	s0 =	rddreg [dreg:$0xa];
	[sflag:s13] =	ssyncadd.s32 $0xFFFF8000  }
0x2eb: {  	[hbm4b:s0+s3] =	stream.linear.scatter [tilespmem:s25], [sflag:$0x4], $0x8000, $0x38;
	[tilespmem:$0x18400] =	vst v63  }
0x2ec: {  	_ =	swait.ge [sflag:s6], $0x8000  }
0x2ed: {  	[sflag:s6] =	ssyncset.done $0x0  }
0x2ee: {  	[sflag:s6] =	ssyncadd.s32 $0xFFFF8000  }
0x2ef: {  	_ =	swait.ge [sflag:s15], $0x8000  }
0x2f0: {  	p0 =	sne.s32 s5, $0x1;
	[sflag:s15] =	ssyncset.done $0x0  }
.Ltmp0:
0x2f1: {  	s2 =	rddreg [dreg:$0xb];
	[sflag:s15] =	ssyncadd.s32 $0xFFFF8000;
	(pc) =	sbr.rel @p0 .LBB2_1-.Ltmp0, $4  }
0x2f2: {  	[hbm4b:s2+s3] =	stream.linear.scatter [tilespmem:s23], [sflag:$0x4], $0x8000, $0x38;
	[tilespmem:$0x18400] =	vst v63  }
0x2f3: {  	_ =	swait.ge [sflag:s6], $0x8000  }
0x2f4: {  	[sflag:s6] =	ssyncset.done $0x0  }
0x2f5: {  	s5 =	sadd.s32 $0xFFFFFFFF, s5;
	[sflag:s6] =	ssyncadd.s32 $0xFFFF8000  }
0x2f6: {  	_ =	sfence.sel $0x180000  }
0x2f7: {  	[bflag:$0x0] =	sbarrier.arrive $0xFFFF  }
0x2f8: {  	_ =	strace $0x90000047  }
0x2f9: {  	s0 =	stileid.u32;
	[bflag:$0x2] =	sbarrier.arrive $0xFFFF  }
0x2fa: {  	p0 =	sne.s32 s0, $0x0;
	s0 =	rddreg [dreg:$0x3]  }
0x2fb: {  	s0 =	sadd.s32 @!p0 $0x100000, s0  }
0x2fc: {  	[sflag:s0] =	ssyncadd.tile.s32 @!p0 $0x1;
	_ =	shalt  }
.Lfunc_end2:
_tile_overlayer_lowered:
.L_overlay_start_2:
0x2fd: {  	(tag) =	ssettag $0x2  }
0x2fe: {  	s0 =	rddreg [dreg:$0x0];
	s2 =	stileid.u32  }
0x2ff: {  	s1 =	rddreg [dreg:$0x1];
	p0 =	sne.s32 s2, $0x0  }
0x300: {  	s3 =	rddreg [dreg:$0x2];
	[bflag:$0x3] =	sbarrier.arrive $0xFFFF;
	s2 =	simm.s32 @!p0 $0x1C04  }
0x301: {  	[timem:s3], [sflag:s2] =	dma.local @!p0 [hbm:s0], s1  }
0x302: {  	s0 =	simm.s32 @!p0 $0x4  }
0x303: {  	_ =	swait.ge @!p0 [sflag:s0], s1  }
0x304: {  	s1 =	ssub.s32 @!p0 $0x0, s1;
	[sflag:s0] =	ssyncset.done @!p0 $0x0  }
0x305: {  	[sflag:s0] =	ssyncadd.s32 @!p0 s1  }
0x306: {  	[bflag:$0x3] =	sbarrier.arrive $0xFFFF  }
0x307: {  	_ =	shalt  }

</sc_bundles>
